<compile_context>
chip_gen: v7x
topology: tpu7x:2x2x1
jax: 0.10.2.dev20260603
libtpu: 0.0.44.dev20260713+nightly
codegen_flags: <defaults>
</compile_context>

<pallas_src>
import jax
import jax.numpy as jnp
from jax import lax
from jax.experimental import pallas as pl
from jax.experimental.pallas import tpu as pltpu
from jax.experimental.pallas import tpu_sc as plsc

N = 100000
D = 128
H = 64
G = 1024
B = 4096
K = 25
NPAD = K * B

NW = 32
CHUNK = NPAD // NW
NVREG = CHUNK // 16
GROWS = NPAD // D
GBLK = B // D

NEG = -3.0e38

_GDNUMS = lax.GatherDimensionNumbers(
    offset_dims=(), collapsed_slice_dims=(0,), start_index_map=(0,))


def _lane_gather(v, idx):
    return lax.gather(v, idx[:, None], _GDNUMS, (1,),
                      mode=lax.GatherScatterMode.PROMISE_IN_BOUNDS)


def _gate_body(x_ref, w1_ref, b1_ref, w2_ref, b2_ref, out_ref):
    i = pl.program_id(0)
    ht = jnp.tanh(
        lax.dot_general(w1_ref[...], x_ref[...], (((0,), (1,)), ((), ())),
                        preferred_element_type=jnp.float32) + b1_ref[...])
    for r in range(GBLK):
        g = lax.dot_general(w2_ref[...], ht[:, r * D:(r + 1) * D],
                            (((0,), (0,)), ((), ())),
                            preferred_element_type=jnp.float32) + b2_ref[...]
        n = i * B + r * D + lax.broadcasted_iota(jnp.int32, (1, D), 1)
        out_ref[r:r + 1, :] = jnp.where(n < N, g, NEG)


def _seg_scan(vals, ids, iota, op):
    for sh in (1, 2, 4, 8):
        src = jnp.maximum(iota - sh, 0)
        vsh = _lane_gather(vals, src)
        ish = _lane_gather(ids, src)
        cond = (ids == ish) & (iota >= sh)
        vals = jnp.where(cond, op(vals, vsh), vals)
    return vals


def _sc_max_body(gate_hbm, ids_hbm, out_hbm, gate_v, ids_v, tab_v):
    wid = lax.axis_index("s") * 2 + lax.axis_index("c")
    base = wid * CHUNK
    pltpu.sync_copy(gate_hbm.at[pl.ds(base, CHUNK)], gate_v)
    pltpu.sync_copy(ids_hbm.at[pl.ds(base, CHUNK)], ids_v)

    def _init(j, _):
        tab_v[pl.ds(j * 16, 16)] = jnp.full((16,), NEG, jnp.float32)
        return 0
    lax.fori_loop(0, G // 16, _init, 0)

    iota = lax.iota(jnp.int32, 16)

    def _step(t, _):
        g = gate_v[pl.ds(t * 16, 16)]
        b = ids_v[pl.ds(t * 16, 16)]
        gmax = _seg_scan(g, b, iota, jnp.maximum)
        nxt = _lane_gather(b, jnp.minimum(iota + 1, 15))
        last = (b != nxt) | (iota == 15)
        cur = plsc.load_gather(tab_v, [b])
        plsc.store_scatter(tab_v, [b], jnp.maximum(cur, gmax), mask=last)
        return 0
    lax.fori_loop(0, NVREG, _step, 0)

    pltpu.sync_copy(tab_v, out_hbm.at[wid])


def _sc_esum_body(gate_hbm, ids_hbm, mpart_hbm, e_hbm, spart_hbm,
                  gate_v, ids_v, e_v, mpart_v, mtab_v, stab_v):
    wid = lax.axis_index("s") * 2 + lax.axis_index("c")
    base = wid * CHUNK
    pltpu.sync_copy(gate_hbm.at[pl.ds(base, CHUNK)], gate_v)
    pltpu.sync_copy(ids_hbm.at[pl.ds(base, CHUNK)], ids_v)
    pltpu.sync_copy(mpart_hbm, mpart_v)

    def _combine(j, _):
        def _inner(w, acc):
            return jnp.maximum(acc, mpart_v[w, pl.ds(j * 16, 16)])
        mtab_v[pl.ds(j * 16, 16)] = lax.fori_loop(
            0, NW, _inner, jnp.full((16,), NEG, jnp.float32))
        return 0
    lax.fori_loop(0, G // 16, _combine, 0)

    def _zinit(j, _):
        stab_v[pl.ds(j * 16, 16)] = jnp.zeros((16,), jnp.float32)
        return 0
    lax.fori_loop(0, G // 16, _zinit, 0)

    iota = lax.iota(jnp.int32, 16)

    def _step(t, _):
        g = gate_v[pl.ds(t * 16, 16)]
        b = ids_v[pl.ds(t * 16, 16)]
        m = plsc.load_gather(mtab_v, [b])
        e = jnp.exp(g - m)
        e_v[pl.ds(t * 16, 16)] = e
        esum = _seg_scan(e, b, iota, lambda a, c: a + c)
        nxt = _lane_gather(b, jnp.minimum(iota + 1, 15))
        last = (b != nxt) | (iota == 15)
        cur = plsc.load_gather(stab_v, [b])
        plsc.store_scatter(stab_v, [b], cur + esum, mask=last)
        return 0
    lax.fori_loop(0, NVREG, _step, 0)

    pltpu.sync_copy(e_v, e_hbm.at[pl.ds(base, CHUNK)])
    pltpu.sync_copy(stab_v, spart_hbm.at[wid])


def _readout_body(x_ref, ids_ref, e_ref, spart_ref, out_ref, t0_ref, t1_ref):
    i = pl.program_id(0)

    @pl.when(i == 0)
    def _():
        t0_ref[...] = jnp.zeros((G // 2, 2 * D), jnp.float32)
        t1_ref[...] = jnp.zeros((G // 2, 2 * D), jnp.float32)

    siota = lax.broadcasted_iota(jnp.int32, (B, 1), 0)
    liota_sp = lax.broadcasted_iota(jnp.int32, (B, GBLK), 1)
    spread = (siota // D == liota_sp).astype(jnp.float32)
    lmask_c = (lax.broadcasted_iota(jnp.int32, (B, D), 1) ==
               siota % D).astype(jnp.float32)
    def _colmm(rows):
        return lax.dot_general(spread, rows, (((1,), (0,)), ((), ())),
                               preferred_element_type=jnp.float32)

    ids_r = ids_ref[...]
    a_hi = _colmm((ids_r >> 6).astype(jnp.float32))
    a_lo = _colmm((ids_r & 63).astype(jnp.float32))
    e_r = e_ref[...]
    e_hd = e_r.astype(jnp.bfloat16).astype(jnp.float32)
    a_e = _colmm(e_hd) + _colmm(e_r - e_hd)
    ids = (jnp.sum((64.0 * a_hi + a_lo) * lmask_c, axis=1, keepdims=True)
           + 0.5).astype(jnp.int32)
    e = jnp.sum(a_e * lmask_c, axis=1, keepdims=True)
    giota = lax.broadcasted_iota(jnp.int32, (B, G // 2), 1)
    onehot = ((ids >> 1) == giota).astype(jnp.bfloat16)
    odd = (ids & 1) == 1
    n = i * B + siota
    y = jnp.where(n < N, e * x_ref[...], 0.0)
    y = y.astype(jnp.bfloat16)
    yo = jnp.where(odd, y, jnp.bfloat16(0))
    y2 = jnp.concatenate([y - yo, yo], axis=1)
    upd = lax.dot_general(onehot, y2, (((0,), (0,)), ((), ())),
                          preferred_element_type=jnp.float32)

    @pl.when(i % 2 == 0)
    def _():
        t0_ref[...] = t0_ref[...] + upd

    @pl.when(i % 2 == 1)
    def _():
        t1_ref[...] = t1_ref[...] + upd

    @pl.when(i == K - 1)
    def _():
        ones = jnp.ones((NW, 1), jnp.float32)
        s_col = lax.dot_general(spart_ref[...], ones,
                                (((0,), (0,)), ((), ())),
                                preferred_element_type=jnp.float32)
        kcol = lax.broadcasted_iota(jnp.int32, (G // 2, G), 0)
        grow = lax.broadcasted_iota(jnp.int32, (G // 2, G), 1)
        sel_e = (2 * kcol == grow).astype(jnp.float32)
        sel_o = (2 * kcol + 1 == grow).astype(jnp.float32)
        s_e = lax.dot_general(sel_e, s_col, (((1,), (0,)), ((), ())),
                              preferred_element_type=jnp.float32)
        s_o = lax.dot_general(sel_o, s_col, (((1,), (0,)), ((), ())),
                              preferred_element_type=jnp.float32)
        lmask = lax.broadcasted_iota(jnp.int32, (G // 2, 2 * D), 1) >= D
        s2 = jnp.where(lmask, s_o, s_e)
        out_ref[...] = (t0_ref[...] + t1_ref[...]) / (s2 + 1e-16)


_sc_cache = {}


def _get_sc_kernels():
    if "k" not in _sc_cache:
        mesh = plsc.VectorSubcoreMesh(core_axis_name="c", subcore_axis_name="s")
        params = pltpu.CompilerParams(needs_layout_passes=False)
        sc_max = pl.kernel(
            _sc_max_body,
            out_type=jax.ShapeDtypeStruct((NW, G), jnp.float32),
            mesh=mesh,
            compiler_params=params,
            scratch_types=[
                pltpu.VMEM((CHUNK,), jnp.float32),
                pltpu.VMEM((CHUNK,), jnp.int32),
                pltpu.VMEM((G,), jnp.float32),
            ],
        )
        sc_esum = pl.kernel(
            _sc_esum_body,
            out_type=(
                jax.ShapeDtypeStruct((NPAD,), jnp.float32),
                jax.ShapeDtypeStruct((NW, G), jnp.float32),
            ),
            mesh=mesh,
            compiler_params=params,
            scratch_types=[
                pltpu.VMEM((CHUNK,), jnp.float32),
                pltpu.VMEM((CHUNK,), jnp.int32),
                pltpu.VMEM((CHUNK,), jnp.float32),
                pltpu.VMEM((NW, G), jnp.float32),
                pltpu.VMEM((G,), jnp.float32),
                pltpu.VMEM((G,), jnp.float32),
            ],
        )
        _sc_cache["k"] = (sc_max, sc_esum)
    return _sc_cache["k"]


def kernel(x, batch, W1, b1, W2, b2):
    ids_pad = jnp.concatenate(
        [batch.astype(jnp.int32), jnp.zeros((NPAD - N,), jnp.int32)])
    ids2d = ids_pad.reshape(GROWS, D)
    b1c = b1.reshape(H, 1)
    b2r = b2.reshape(1, 1)

    gate2d = pl.pallas_call(
        _gate_body,
        grid=(K,),
        in_specs=[
            pl.BlockSpec((B, D), lambda i: (i, 0)),
            pl.BlockSpec((D, H), lambda i: (0, 0)),
            pl.BlockSpec((H, 1), lambda i: (0, 0)),
            pl.BlockSpec((H, 1), lambda i: (0, 0)),
            pl.BlockSpec((1, 1), lambda i: (0, 0)),
        ],
        out_specs=pl.BlockSpec((GBLK, D), lambda i: (i, 0)),
        out_shape=jax.ShapeDtypeStruct((GROWS, D), jnp.float32),
    )(x, W1, b1c, W2, b2r)

    gate_lin = gate2d.reshape(NPAD)

    sc_max, sc_esum = _get_sc_kernels()
    m_part = sc_max(gate_lin, ids_pad)
    e_lin, s_part = sc_esum(gate_lin, ids_pad, m_part)
    e2d = e_lin.reshape(GROWS, D)

    out = pl.pallas_call(
        _readout_body,
        grid=(K,),
        in_specs=[
            pl.BlockSpec((B, D), lambda i: (i, 0)),
            pl.BlockSpec((GBLK, D), lambda i: (i, 0)),
            pl.BlockSpec((GBLK, D), lambda i: (i, 0)),
            pl.BlockSpec((NW, G), lambda i: (0, 0)),
        ],
        out_specs=pl.BlockSpec((G // 2, 2 * D), lambda i: (0, 0)),
        out_shape=jax.ShapeDtypeStruct((G // 2, 2 * D), jnp.float32),
        scratch_shapes=[
            pltpu.VMEM((G // 2, 2 * D), jnp.float32),
            pltpu.VMEM((G // 2, 2 * D), jnp.float32),
        ],
    )(x, ids2d, e2d, s_part)

    return out.reshape(G, D)

# --- scband reference (transcript-rebuilt; emitter-appended) ---
"""Pipeline reference for scband-attentional-readout-40046275068524 (READ-ONLY COPY).

The authoritative reference and input builder live on the scoring server;
editing this copy changes nothing except your own understanding.
"""

import jax, jax.numpy as jnp
import numpy as np

NUM_SEGMENTS = 1024


def setup_inputs(seed: int = 0) -> dict:
    key = jax.random.key(seed)
    k1, k2, k3, k4 = jax.random.split(key, 4)
    x = jax.random.normal(k1, (100000, 128), dtype=jnp.float32)
    batch = jnp.sort(jax.random.randint(k2, (100000,), 0, NUM_SEGMENTS, dtype=jnp.int64))
    # gate_nn = Linear(128 -> 64), Tanh, Linear(64 -> 1)
    W1 = jax.random.normal(k3, (128, 64), dtype=jnp.float32) * (1.0 / np.sqrt(128))
    b1 = jnp.zeros((64,), dtype=jnp.float32)
    W2 = jax.random.normal(k4, (64, 1), dtype=jnp.float32) * (1.0 / np.sqrt(64))
    b2 = jnp.zeros((1,), dtype=jnp.float32)
    return {"x": x, "batch": batch, "W1": W1, "b1": b1, "W2": W2, "b2": b2}


def reference(x, batch, W1, b1, W2, b2):
    # gate_nn(x): Linear -> Tanh -> Linear, producing one score per node
    gate = jnp.tanh(x @ W1 + b1) @ W2 + b2  # [N, 1]
    gate = gate[:, 0]  # [N]
    # numerically-stable segment softmax over graphs (batch ids)
    gmax = jax.ops.segment_max(gate, batch, num_segments=NUM_SEGMENTS)  # [G]
    gate = jnp.exp(gate - gmax[batch])
    gsum = jax.ops.segment_sum(gate, batch, num_segments=NUM_SEGMENTS)  # [G]
    alpha = gate / (gsum[batch] + 1e-16)  # [N]
    # attention-weighted sum per graph
    out = jax.ops.segment_sum(alpha[:, None] * x, batch, num_segments=NUM_SEGMENTS)  # [G, d]
    return out

if __name__ == "__main__":
    import jax
    _d = setup_inputs()
    print(jax.jit(kernel)(*tuple(_d.values())))

</pallas_src>

<mosaic_0001>
#map = affine_map<(d0, d1) -> (0)>
#map1 = affine_map<(d0, d1) -> (0, 0)>
module attributes {stable_mosaic.version = 14 : i64} {
  func.func @_sc_max_body(%arg0: i32, %arg1: i32, %arg2: memref<102400xf32, #tpu.memory_space<hbm>>, %arg3: memref<102400xi32, #tpu.memory_space<hbm>>, %arg4: memref<32x1024xf32, #tpu.memory_space<hbm>>, %arg5: memref<3200xf32, #tpu.memory_space<vmem>>, %arg6: memref<3200xi32, #tpu.memory_space<vmem>>, %arg7: memref<1024xf32, #tpu.memory_space<vmem>>) attributes {dimension_semantics = [#tpu.dimension_semantics<core_parallel>, #tpu.dimension_semantics<subcore_parallel>], iteration_bounds = array<i64: 2, 16>, scalar_prefetch = 0 : i64, scratch_operands = 3 : i64, tpu.core_type = #tpu.core_type<sc_vector_subcore>, window_params = [{transform_indices = #map}, {transform_indices = #map}, {transform_indices = #map1}]} {
    %mul3A = arith.constant 2 : i32
    %mul3A_0 = arith.muli %arg1, %mul3A : i32
    %add3A = arith.addi %mul3A_0, %arg0 : i32
    %mul3A_1 = arith.constant 3200 : i32
    %mul3A_2 = arith.muli %add3A, %mul3A_1 : i32
    "tpu.region"() ({
      %run_scoped3A = tpu.sem_alloc : memref<!tpu.dma_semaphore, #tpu.memory_space<semaphore_mem>>
      %dma_start3A = tpu.memref_slice %arg2[%mul3A_2] : memref<102400xf32, #tpu.memory_space<hbm>> -> memref<3200xf32, #tpu.memory_space<hbm>>
      %dma_start3A_16 = tpu.memref_slice %arg2[%mul3A_2] : memref<102400xf32, #tpu.memory_space<hbm>> -> memref<3200xf32, #tpu.memory_space<hbm>>
      tpu.enqueue_dma source(%dma_start3A_16 : memref<3200xf32, #tpu.memory_space<hbm>>) target(%arg5 : memref<3200xf32, #tpu.memory_space<vmem>>) target_semaphore(%run_scoped3A : memref<!tpu.dma_semaphore, #tpu.memory_space<semaphore_mem>>)
      %dma_wait3A = tpu.memref_slice %arg2[%mul3A_2] : memref<102400xf32, #tpu.memory_space<hbm>> -> memref<3200xf32, #tpu.memory_space<hbm>>
      %dma_wait3A_17 = tpu.memref_slice %arg2[%mul3A_2] : memref<102400xf32, #tpu.memory_space<hbm>> -> memref<3200xf32, #tpu.memory_space<hbm>>
      tpu.wait_dma2 semaphore(%run_scoped3A : memref<!tpu.dma_semaphore, #tpu.memory_space<semaphore_mem>>) src(%dma_wait3A_17 : memref<3200xf32, #tpu.memory_space<hbm>>) dst(%arg5 : memref<3200xf32, #tpu.memory_space<vmem>>)
      tpu.yield
    }) : () -> ()
    "tpu.region"() ({
      %run_scoped3A = tpu.sem_alloc : memref<!tpu.dma_semaphore, #tpu.memory_space<semaphore_mem>>
      %dma_start3A = tpu.memref_slice %arg3[%mul3A_2] : memref<102400xi32, #tpu.memory_space<hbm>> -> memref<3200xi32, #tpu.memory_space<hbm>>
      %dma_start3A_16 = tpu.memref_slice %arg3[%mul3A_2] : memref<102400xi32, #tpu.memory_space<hbm>> -> memref<3200xi32, #tpu.memory_space<hbm>>
      tpu.enqueue_dma source(%dma_start3A_16 : memref<3200xi32, #tpu.memory_space<hbm>>) target(%arg6 : memref<3200xi32, #tpu.memory_space<vmem>>) target_semaphore(%run_scoped3A : memref<!tpu.dma_semaphore, #tpu.memory_space<semaphore_mem>>)
      %dma_wait3A = tpu.memref_slice %arg3[%mul3A_2] : memref<102400xi32, #tpu.memory_space<hbm>> -> memref<3200xi32, #tpu.memory_space<hbm>>
      %dma_wait3A_17 = tpu.memref_slice %arg3[%mul3A_2] : memref<102400xi32, #tpu.memory_space<hbm>> -> memref<3200xi32, #tpu.memory_space<hbm>>
      tpu.wait_dma2 semaphore(%run_scoped3A : memref<!tpu.dma_semaphore, #tpu.memory_space<semaphore_mem>>) src(%dma_wait3A_17 : memref<3200xi32, #tpu.memory_space<hbm>>) dst(%arg6 : memref<3200xi32, #tpu.memory_space<vmem>>)
      tpu.yield
    }) : () -> ()
    %scan3A = arith.constant 0 : i32
    %scan3A_3 = arith.constant 0 : i32
    %scan3A_4 = arith.constant 64 : i32
    %scan3A_5 = arith.addi %scan3A_3, %scan3A_4 : i32
    %scan3A_6 = arith.constant 1 : i32
    %scan3A_7 = scf.for %scan3A_16 = %scan3A_3 to %scan3A_5 step %scan3A_6 iter_args(%scan3A_17 = %scan3A) -> (i32)  : i32 {
      %broadcast_in_dim3A = arith.constant -3.000000e+38 : f32
      %broadcast_in_dim3A_18 = vector.broadcast %broadcast_in_dim3A : f32 to vector<16xf32>
      %mul3A_19 = arith.constant 16 : i32
      %mul3A_20 = arith.muli %scan3A_16, %mul3A_19 : i32
      %swap3A = arith.index_cast %mul3A_20 : i32 to index
      %swap3A_21 = tpu.vector_load %arg7[%swap3A] {strides = array<i32>} : memref<1024xf32, #tpu.memory_space<vmem>>, vector<16xf32>,
      tpu.vector_store %arg7[%swap3A], %broadcast_in_dim3A_18 {strides = array<i32>} : memref<1024xf32, #tpu.memory_space<vmem>>, vector<16xf32>,
      %scan3A_22 = arith.constant 0 : i32
      scf.yield %scan3A_22 : i32
    }
    %scan3A_8 = arith.constant 64 : i32
    %iota3A = tpu.iota {dimensions = array<i32: 0>} : vector<16xi32>
    %scan3A_9 = arith.constant 0 : i32
    %scan3A_10 = arith.constant 0 : i32
    %scan3A_11 = arith.constant 200 : i32
    %scan3A_12 = arith.addi %scan3A_10, %scan3A_11 : i32
    %scan3A_13 = arith.constant 1 : i32
    %scan3A_14 = scf.for %scan3A_16 = %scan3A_10 to %scan3A_12 step %scan3A_13 iter_args(%scan3A_17 = %scan3A_9) -> (i32)  : i32 {
      %mul3A_18 = arith.constant 16 : i32
      %mul3A_19 = arith.muli %scan3A_16, %mul3A_18 : i32
      %get3A = arith.index_cast %mul3A_19 : i32 to index
      %get3A_20 = tpu.vector_load %arg5[%get3A] {strides = array<i32>} : memref<3200xf32, #tpu.memory_space<vmem>>, vector<16xf32>,
      %mul3A_21 = arith.constant 16 : i32
      %mul3A_22 = arith.muli %scan3A_16, %mul3A_21 : i32
      %get3A_23 = arith.index_cast %mul3A_22 : i32 to index
      %get3A_24 = tpu.vector_load %arg6[%get3A_23] {strides = array<i32>} : memref<3200xi32, #tpu.memory_space<vmem>>, vector<16xi32>,
      %sub3A = arith.constant 1 : i32
      %sub3A_25 = vector.broadcast %sub3A : i32 to vector<16xi32>
      %sub3A_26 = arith.subi %iota3A, %sub3A_25 : vector<16xi32>
      %max3A = arith.constant 0 : i32
      %max3A_27 = vector.broadcast %max3A : i32 to vector<16xi32>
      %max3A_28 = arith.maxsi %sub3A_26, %max3A_27 : vector<16xi32>
      %broadcast_in_dim3A = vector.shape_cast %max3A_28 : vector<16xi32> to vector<16x1xi32>
      %gather3A = vector.shape_cast %broadcast_in_dim3A : vector<16x1xi32> to vector<16xi32>
      %gather3A_29 = tpu.dynamic_gather %get3A_20[%gather3A] in [0] : vector<16xf32>, vector<16xi32> -> vector<16xf32>
      %broadcast_in_dim3A_30 = vector.shape_cast %max3A_28 : vector<16xi32> to vector<16x1xi32>
      %gather3A_31 = vector.shape_cast %broadcast_in_dim3A_30 : vector<16x1xi32> to vector<16xi32>
      %gather3A_32 = tpu.dynamic_gather %get3A_24[%gather3A_31] in [0] : vector<16xi32>, vector<16xi32> -> vector<16xi32>
      %eq3A = arith.cmpi eq, %get3A_24, %gather3A_32 : vector<16xi32>
      %ge3A = arith.constant 1 : i32
      %ge3A_33 = vector.broadcast %ge3A : i32 to vector<16xi32>
      %ge3A_34 = arith.cmpi sge, %iota3A, %ge3A_33 : vector<16xi32>
      %and3A = arith.andi %eq3A, %ge3A_34 : vector<16xi1>
      %max3A_35 = arith.maximumf %get3A_20, %gather3A_29 : vector<16xf32>
      %select_n3A = arith.select %and3A, %max3A_35, %get3A_20 : vector<16xi1>, vector<16xf32>
      %sub3A_36 = arith.constant 2 : i32
      %sub3A_37 = vector.broadcast %sub3A_36 : i32 to vector<16xi32>
      %sub3A_38 = arith.subi %iota3A, %sub3A_37 : vector<16xi32>
      %max3A_39 = arith.constant 0 : i32
      %max3A_40 = vector.broadcast %max3A_39 : i32 to vector<16xi32>
      %max3A_41 = arith.maxsi %sub3A_38, %max3A_40 : vector<16xi32>
      %broadcast_in_dim3A_42 = vector.shape_cast %max3A_41 : vector<16xi32> to vector<16x1xi32>
      %gather3A_43 = vector.shape_cast %broadcast_in_dim3A_42 : vector<16x1xi32> to vector<16xi32>
      %gather3A_44 = tpu.dynamic_gather %select_n3A[%gather3A_43] in [0] : vector<16xf32>, vector<16xi32> -> vector<16xf32>
      %broadcast_in_dim3A_45 = vector.shape_cast %max3A_41 : vector<16xi32> to vector<16x1xi32>
      %gather3A_46 = vector.shape_cast %broadcast_in_dim3A_45 : vector<16x1xi32> to vector<16xi32>
      %gather3A_47 = tpu.dynamic_gather %get3A_24[%gather3A_46] in [0] : vector<16xi32>, vector<16xi32> -> vector<16xi32>
      %eq3A_48 = arith.cmpi eq, %get3A_24, %gather3A_47 : vector<16xi32>
      %ge3A_49 = arith.constant 2 : i32
      %ge3A_50 = vector.broadcast %ge3A_49 : i32 to vector<16xi32>
      %ge3A_51 = arith.cmpi sge, %iota3A, %ge3A_50 : vector<16xi32>
      %and3A_52 = arith.andi %eq3A_48, %ge3A_51 : vector<16xi1>
      %max3A_53 = arith.maximumf %select_n3A, %gather3A_44 : vector<16xf32>
      %select_n3A_54 = arith.select %and3A_52, %max3A_53, %select_n3A : vector<16xi1>, vector<16xf32>
      %sub3A_55 = arith.constant 4 : i32
      %sub3A_56 = vector.broadcast %sub3A_55 : i32 to vector<16xi32>
      %sub3A_57 = arith.subi %iota3A, %sub3A_56 : vector<16xi32>
      %max3A_58 = arith.constant 0 : i32
      %max3A_59 = vector.broadcast %max3A_58 : i32 to vector<16xi32>
      %max3A_60 = arith.maxsi %sub3A_57, %max3A_59 : vector<16xi32>
      %broadcast_in_dim3A_61 = vector.shape_cast %max3A_60 : vector<16xi32> to vector<16x1xi32>
      %gather3A_62 = vector.shape_cast %broadcast_in_dim3A_61 : vector<16x1xi32> to vector<16xi32>
      %gather3A_63 = tpu.dynamic_gather %select_n3A_54[%gather3A_62] in [0] : vector<16xf32>, vector<16xi32> -> vector<16xf32>
      %broadcast_in_dim3A_64 = vector.shape_cast %max3A_60 : vector<16xi32> to vector<16x1xi32>
      %gather3A_65 = vector.shape_cast %broadcast_in_dim3A_64 : vector<16x1xi32> to vector<16xi32>
      %gather3A_66 = tpu.dynamic_gather %get3A_24[%gather3A_65] in [0] : vector<16xi32>, vector<16xi32> -> vector<16xi32>
      %eq3A_67 = arith.cmpi eq, %get3A_24, %gather3A_66 : vector<16xi32>
      %ge3A_68 = arith.constant 4 : i32
      %ge3A_69 = vector.broadcast %ge3A_68 : i32 to vector<16xi32>
      %ge3A_70 = arith.cmpi sge, %iota3A, %ge3A_69 : vector<16xi32>
      %and3A_71 = arith.andi %eq3A_67, %ge3A_70 : vector<16xi1>
      %max3A_72 = arith.maximumf %select_n3A_54, %gather3A_63 : vector<16xf32>
      %select_n3A_73 = arith.select %and3A_71, %max3A_72, %select_n3A_54 : vector<16xi1>, vector<16xf32>
      %sub3A_74 = arith.constant 8 : i32
      %sub3A_75 = vector.broadcast %sub3A_74 : i32 to vector<16xi32>
      %sub3A_76 = arith.subi %iota3A, %sub3A_75 : vector<16xi32>
      %max3A_77 = arith.constant 0 : i32
      %max3A_78 = vector.broadcast %max3A_77 : i32 to vector<16xi32>
      %max3A_79 = arith.maxsi %sub3A_76, %max3A_78 : vector<16xi32>
      %broadcast_in_dim3A_80 = vector.shape_cast %max3A_79 : vector<16xi32> to vector<16x1xi32>
      %gather3A_81 = vector.shape_cast %broadcast_in_dim3A_80 : vector<16x1xi32> to vector<16xi32>
      %gather3A_82 = tpu.dynamic_gather %select_n3A_73[%gather3A_81] in [0] : vector<16xf32>, vector<16xi32> -> vector<16xf32>
      %broadcast_in_dim3A_83 = vector.shape_cast %max3A_79 : vector<16xi32> to vector<16x1xi32>
      %gather3A_84 = vector.shape_cast %broadcast_in_dim3A_83 : vector<16x1xi32> to vector<16xi32>
      %gather3A_85 = tpu.dynamic_gather %get3A_24[%gather3A_84] in [0] : vector<16xi32>, vector<16xi32> -> vector<16xi32>
      %eq3A_86 = arith.cmpi eq, %get3A_24, %gather3A_85 : vector<16xi32>
      %ge3A_87 = arith.constant 8 : i32
      %ge3A_88 = vector.broadcast %ge3A_87 : i32 to vector<16xi32>
      %ge3A_89 = arith.cmpi sge, %iota3A, %ge3A_88 : vector<16xi32>
      %and3A_90 = arith.andi %eq3A_86, %ge3A_89 : vector<16xi1>
      %max3A_91 = arith.maximumf %select_n3A_73, %gather3A_82 : vector<16xf32>
      %select_n3A_92 = arith.select %and3A_90, %max3A_91, %select_n3A_73 : vector<16xi1>, vector<16xf32>
      %add3A_93 = arith.constant 1 : i32
      %add3A_94 = vector.broadcast %add3A_93 : i32 to vector<16xi32>
      %add3A_95 = arith.addi %iota3A, %add3A_94 : vector<16xi32>
      %min3A = arith.constant 15 : i32
      %min3A_96 = vector.broadcast %min3A : i32 to vector<16xi32>
      %min3A_97 = arith.minsi %add3A_95, %min3A_96 : vector<16xi32>
      %broadcast_in_dim3A_98 = vector.shape_cast %min3A_97 : vector<16xi32> to vector<16x1xi32>
      %gather3A_99 = vector.shape_cast %broadcast_in_dim3A_98 : vector<16x1xi32> to vector<16xi32>
      %gather3A_100 = tpu.dynamic_gather %get3A_24[%gather3A_99] in [0] : vector<16xi32>, vector<16xi32> -> vector<16xi32>
      %ne3A = arith.cmpi ne, %get3A_24, %gather3A_100 : vector<16xi32>
      %eq3A_101 = arith.constant 15 : i32
      %eq3A_102 = vector.broadcast %eq3A_101 : i32 to vector<16xi32>
      %eq3A_103 = arith.cmpi eq, %iota3A, %eq3A_102 : vector<16xi32>
      %or3A = arith.ori %ne3A, %eq3A_103 : vector<16xi1>
      %gather3A_104 = tpu.vector_load_idx %arg7[%get3A_24] : memref<1024xf32, #tpu.memory_space<vmem>>[vector<16xi32>], vector<16xf32>,
      %max3A_105 = arith.maximumf %gather3A_104, %select_n3A_92 : vector<16xf32>
      tpu.vector_store_idx %arg7[%get3A_24], %max3A_105 masked %or3A : memref<1024xf32, #tpu.memory_space<vmem>>[vector<16xi32>], vector<16xf32>, vector<16xi1>
      %scan3A_106 = arith.constant 0 : i32
      scf.yield %scan3A_106 : i32
    }
    %scan3A_15 = arith.constant 200 : i32
    "tpu.region"() ({
      %run_scoped3A = tpu.sem_alloc : memref<!tpu.dma_semaphore, #tpu.memory_space<semaphore_mem>>
      %dma_start3A = arith.constant 0 : i32
      %dma_start3A_16 = tpu.memref_slice %arg4[%add3A, %dma_start3A] : memref<32x1024xf32, #tpu.memory_space<hbm>> -> memref<1x1024xf32, #tpu.memory_space<hbm>>
      %dma_start3A_17 = tpu.memref_squeeze %dma_start3A_16 : memref<1x1024xf32, #tpu.memory_space<hbm>> -> memref<1024xf32, #tpu.memory_space<hbm>>
      %dma_start3A_18 = arith.constant 0 : i32
      %dma_start3A_19 = tpu.memref_slice %arg4[%add3A, %dma_start3A_18] : memref<32x1024xf32, #tpu.memory_space<hbm>> -> memref<1x1024xf32, #tpu.memory_space<hbm>>
      %dma_start3A_20 = tpu.memref_squeeze %dma_start3A_19 : memref<1x1024xf32, #tpu.memory_space<hbm>> -> memref<1024xf32, #tpu.memory_space<hbm>>
      tpu.enqueue_dma source(%arg7 : memref<1024xf32, #tpu.memory_space<vmem>>) target(%dma_start3A_20 : memref<1024xf32, #tpu.memory_space<hbm>>) target_semaphore(%run_scoped3A : memref<!tpu.dma_semaphore, #tpu.memory_space<semaphore_mem>>)
      %dma_wait3A = arith.constant 0 : i32
      %dma_wait3A_21 = tpu.memref_slice %arg4[%add3A, %dma_wait3A] : memref<32x1024xf32, #tpu.memory_space<hbm>> -> memref<1x1024xf32, #tpu.memory_space<hbm>>
      %dma_wait3A_22 = tpu.memref_squeeze %dma_wait3A_21 : memref<1x1024xf32, #tpu.memory_space<hbm>> -> memref<1024xf32, #tpu.memory_space<hbm>>
      %dma_wait3A_23 = arith.constant 0 : i32
      %dma_wait3A_24 = tpu.memref_slice %arg4[%add3A, %dma_wait3A_23] : memref<32x1024xf32, #tpu.memory_space<hbm>> -> memref<1x1024xf32, #tpu.memory_space<hbm>>
      %dma_wait3A_25 = tpu.memref_squeeze %dma_wait3A_24 : memref<1x1024xf32, #tpu.memory_space<hbm>> -> memref<1024xf32, #tpu.memory_space<hbm>>
      tpu.wait_dma2 semaphore(%run_scoped3A : memref<!tpu.dma_semaphore, #tpu.memory_space<semaphore_mem>>) src(%arg7 : memref<1024xf32, #tpu.memory_space<vmem>>) dst(%dma_wait3A_25 : memref<1024xf32, #tpu.memory_space<hbm>>)
      tpu.yield
    }) : () -> ()
    return
  }
}

#map = affine_map<(d0, d1) -> (0)>
#map1 = affine_map<(d0, d1) -> (0, 0)>
module attributes {stable_mosaic.version = 14 : i64} {
  func.func @_sc_esum_body(%arg0: i32, %arg1: i32, %arg2: memref<102400xf32, #tpu.memory_space<hbm>>, %arg3: memref<102400xi32, #tpu.memory_space<hbm>>, %arg4: memref<32x1024xf32, #tpu.memory_space<hbm>>, %arg5: memref<102400xf32, #tpu.memory_space<hbm>>, %arg6: memref<32x1024xf32, #tpu.memory_space<hbm>>, %arg7: memref<3200xf32, #tpu.memory_space<vmem>>, %arg8: memref<3200xi32, #tpu.memory_space<vmem>>, %arg9: memref<3200xf32, #tpu.memory_space<vmem>>, %arg10: memref<32x1024xf32, #tpu.memory_space<vmem>>, %arg11: memref<1024xf32, #tpu.memory_space<vmem>>, %arg12: memref<1024xf32, #tpu.memory_space<vmem>>) attributes {dimension_semantics = [#tpu.dimension_semantics<core_parallel>, #tpu.dimension_semantics<subcore_parallel>], iteration_bounds = array<i64: 2, 16>, scalar_prefetch = 0 : i64, scratch_operands = 6 : i64, tpu.core_type = #tpu.core_type<sc_vector_subcore>, window_params = [{transform_indices = #map}, {transform_indices = #map}, {transform_indices = #map1}, {transform_indices = #map}, {transform_indices = #map1}]} {
    %mul3A = arith.constant 2 : i32
    %mul3A_0 = arith.muli %arg1, %mul3A : i32
    %add3A = arith.addi %mul3A_0, %arg0 : i32
    %mul3A_1 = arith.constant 3200 : i32
    %mul3A_2 = arith.muli %add3A, %mul3A_1 : i32
    "tpu.region"() ({
      %run_scoped3A = tpu.sem_alloc : memref<!tpu.dma_semaphore, #tpu.memory_space<semaphore_mem>>
      %dma_start3A = tpu.memref_slice %arg2[%mul3A_2] : memref<102400xf32, #tpu.memory_space<hbm>> -> memref<3200xf32, #tpu.memory_space<hbm>>
      %dma_start3A_23 = tpu.memref_slice %arg2[%mul3A_2] : memref<102400xf32, #tpu.memory_space<hbm>> -> memref<3200xf32, #tpu.memory_space<hbm>>
      tpu.enqueue_dma source(%dma_start3A_23 : memref<3200xf32, #tpu.memory_space<hbm>>) target(%arg7 : memref<3200xf32, #tpu.memory_space<vmem>>) target_semaphore(%run_scoped3A : memref<!tpu.dma_semaphore, #tpu.memory_space<semaphore_mem>>)
      %dma_wait3A = tpu.memref_slice %arg2[%mul3A_2] : memref<102400xf32, #tpu.memory_space<hbm>> -> memref<3200xf32, #tpu.memory_space<hbm>>
      %dma_wait3A_24 = tpu.memref_slice %arg2[%mul3A_2] : memref<102400xf32, #tpu.memory_space<hbm>> -> memref<3200xf32, #tpu.memory_space<hbm>>
      tpu.wait_dma2 semaphore(%run_scoped3A : memref<!tpu.dma_semaphore, #tpu.memory_space<semaphore_mem>>) src(%dma_wait3A_24 : memref<3200xf32, #tpu.memory_space<hbm>>) dst(%arg7 : memref<3200xf32, #tpu.memory_space<vmem>>)
      tpu.yield
    }) : () -> ()
    "tpu.region"() ({
      %run_scoped3A = tpu.sem_alloc : memref<!tpu.dma_semaphore, #tpu.memory_space<semaphore_mem>>
      %dma_start3A = tpu.memref_slice %arg3[%mul3A_2] : memref<102400xi32, #tpu.memory_space<hbm>> -> memref<3200xi32, #tpu.memory_space<hbm>>
      %dma_start3A_23 = tpu.memref_slice %arg3[%mul3A_2] : memref<102400xi32, #tpu.memory_space<hbm>> -> memref<3200xi32, #tpu.memory_space<hbm>>
      tpu.enqueue_dma source(%dma_start3A_23 : memref<3200xi32, #tpu.memory_space<hbm>>) target(%arg8 : memref<3200xi32, #tpu.memory_space<vmem>>) target_semaphore(%run_scoped3A : memref<!tpu.dma_semaphore, #tpu.memory_space<semaphore_mem>>)
      %dma_wait3A = tpu.memref_slice %arg3[%mul3A_2] : memref<102400xi32, #tpu.memory_space<hbm>> -> memref<3200xi32, #tpu.memory_space<hbm>>
      %dma_wait3A_24 = tpu.memref_slice %arg3[%mul3A_2] : memref<102400xi32, #tpu.memory_space<hbm>> -> memref<3200xi32, #tpu.memory_space<hbm>>
      tpu.wait_dma2 semaphore(%run_scoped3A : memref<!tpu.dma_semaphore, #tpu.memory_space<semaphore_mem>>) src(%dma_wait3A_24 : memref<3200xi32, #tpu.memory_space<hbm>>) dst(%arg8 : memref<3200xi32, #tpu.memory_space<vmem>>)
      tpu.yield
    }) : () -> ()
    "tpu.region"() ({
      %run_scoped3A = tpu.sem_alloc : memref<!tpu.dma_semaphore, #tpu.memory_space<semaphore_mem>>
      tpu.enqueue_dma source(%arg4 : memref<32x1024xf32, #tpu.memory_space<hbm>>) target(%arg10 : memref<32x1024xf32, #tpu.memory_space<vmem>>) target_semaphore(%run_scoped3A : memref<!tpu.dma_semaphore, #tpu.memory_space<semaphore_mem>>)
      tpu.wait_dma2 semaphore(%run_scoped3A : memref<!tpu.dma_semaphore, #tpu.memory_space<semaphore_mem>>) src(%arg4 : memref<32x1024xf32, #tpu.memory_space<hbm>>) dst(%arg10 : memref<32x1024xf32, #tpu.memory_space<vmem>>)
      tpu.yield
    }) : () -> ()
    %scan3A = arith.constant 0 : i32
    %scan3A_3 = arith.constant 0 : i32
    %scan3A_4 = arith.constant 64 : i32
    %scan3A_5 = arith.addi %scan3A_3, %scan3A_4 : i32
    %scan3A_6 = arith.constant 1 : i32
    %scan3A_7 = scf.for %scan3A_23 = %scan3A_3 to %scan3A_5 step %scan3A_6 iter_args(%scan3A_24 = %scan3A) -> (i32)  : i32 {
      %broadcast_in_dim3A = arith.constant -3.000000e+38 : f32
      %broadcast_in_dim3A_25 = vector.broadcast %broadcast_in_dim3A : f32 to vector<16xf32>
      %scan3A_26 = arith.constant 0 : i32
      %scan3A_27 = arith.constant 32 : i32
      %scan3A_28 = arith.addi %scan3A_26, %scan3A_27 : i32
      %scan3A_29 = arith.constant 1 : i32
      %scan3A_30 = scf.for %scan3A_36 = %scan3A_26 to %scan3A_28 step %scan3A_29 iter_args(%scan3A_37 = %broadcast_in_dim3A_25) -> (vector<16xf32>)  : i32 {
        %mul3A_38 = arith.constant 16 : i32
        %mul3A_39 = arith.muli %scan3A_23, %mul3A_38 : i32
        %get3A = arith.index_cast %scan3A_36 : i32 to index
        %get3A_40 = arith.index_cast %mul3A_39 : i32 to index
        %get3A_41 = tpu.vector_load %arg10[%get3A, %get3A_40] {strides = array<i32>} : memref<32x1024xf32, #tpu.memory_space<vmem>>, vector<16xf32>,
        %max3A = arith.maximumf %scan3A_37, %get3A_41 : vector<16xf32>
        scf.yield %max3A : vector<16xf32>
      }
      %scan3A_31 = arith.constant 32 : i32
      %mul3A_32 = arith.constant 16 : i32
      %mul3A_33 = arith.muli %scan3A_23, %mul3A_32 : i32
      %swap3A = arith.index_cast %mul3A_33 : i32 to index
      %swap3A_34 = tpu.vector_load %arg11[%swap3A] {strides = array<i32>} : memref<1024xf32, #tpu.memory_space<vmem>>, vector<16xf32>,
      tpu.vector_store %arg11[%swap3A], %scan3A_30 {strides = array<i32>} : memref<1024xf32, #tpu.memory_space<vmem>>, vector<16xf32>,
      %scan3A_35 = arith.constant 0 : i32
      scf.yield %scan3A_35 : i32
    }
    %scan3A_8 = arith.constant 64 : i32
    %scan3A_9 = arith.constant 0 : i32
    %scan3A_10 = arith.constant 0 : i32
    %scan3A_11 = arith.constant 64 : i32
    %scan3A_12 = arith.addi %scan3A_10, %scan3A_11 : i32
    %scan3A_13 = arith.constant 1 : i32
    %scan3A_14 = scf.for %scan3A_23 = %scan3A_10 to %scan3A_12 step %scan3A_13 iter_args(%scan3A_24 = %scan3A_9) -> (i32)  : i32 {
      %broadcast_in_dim3A = arith.constant 0.000000e+00 : f32
      %broadcast_in_dim3A_25 = vector.broadcast %broadcast_in_dim3A : f32 to vector<16xf32>
      %mul3A_26 = arith.constant 16 : i32
      %mul3A_27 = arith.muli %scan3A_23, %mul3A_26 : i32
      %swap3A = arith.index_cast %mul3A_27 : i32 to index
      %swap3A_28 = tpu.vector_load %arg12[%swap3A] {strides = array<i32>} : memref<1024xf32, #tpu.memory_space<vmem>>, vector<16xf32>,
      tpu.vector_store %arg12[%swap3A], %broadcast_in_dim3A_25 {strides = array<i32>} : memref<1024xf32, #tpu.memory_space<vmem>>, vector<16xf32>,
      %scan3A_29 = arith.constant 0 : i32
      scf.yield %scan3A_29 : i32
    }
    %scan3A_15 = arith.constant 64 : i32
    %iota3A = tpu.iota {dimensions = array<i32: 0>} : vector<16xi32>
    %scan3A_16 = arith.constant 0 : i32
    %scan3A_17 = arith.constant 0 : i32
    %scan3A_18 = arith.constant 200 : i32
    %scan3A_19 = arith.addi %scan3A_17, %scan3A_18 : i32
    %scan3A_20 = arith.constant 1 : i32
    %scan3A_21 = scf.for %scan3A_23 = %scan3A_17 to %scan3A_19 step %scan3A_20 iter_args(%scan3A_24 = %scan3A_16) -> (i32)  : i32 {
      %mul3A_25 = arith.constant 16 : i32
      %mul3A_26 = arith.muli %scan3A_23, %mul3A_25 : i32
      %get3A = arith.index_cast %mul3A_26 : i32 to index
      %get3A_27 = tpu.vector_load %arg7[%get3A] {strides = array<i32>} : memref<3200xf32, #tpu.memory_space<vmem>>, vector<16xf32>,
      %mul3A_28 = arith.constant 16 : i32
      %mul3A_29 = arith.muli %scan3A_23, %mul3A_28 : i32
      %get3A_30 = arith.index_cast %mul3A_29 : i32 to index
      %get3A_31 = tpu.vector_load %arg8[%get3A_30] {strides = array<i32>} : memref<3200xi32, #tpu.memory_space<vmem>>, vector<16xi32>,
      %gather3A = tpu.vector_load_idx %arg11[%get3A_31] : memref<1024xf32, #tpu.memory_space<vmem>>[vector<16xi32>], vector<16xf32>,
      %sub3A = arith.subf %get3A_27, %gather3A : vector<16xf32>
      %exp3A = math.exp %sub3A : vector<16xf32>
      %mul3A_32 = arith.constant 16 : i32
      %mul3A_33 = arith.muli %scan3A_23, %mul3A_32 : i32
      %swap3A = arith.index_cast %mul3A_33 : i32 to index
      %swap3A_34 = tpu.vector_load %arg9[%swap3A] {strides = array<i32>} : memref<3200xf32, #tpu.memory_space<vmem>>, vector<16xf32>,
      tpu.vector_store %arg9[%swap3A], %exp3A {strides = array<i32>} : memref<3200xf32, #tpu.memory_space<vmem>>, vector<16xf32>,
      %sub3A_35 = arith.constant 1 : i32
      %sub3A_36 = vector.broadcast %sub3A_35 : i32 to vector<16xi32>
      %sub3A_37 = arith.subi %iota3A, %sub3A_36 : vector<16xi32>
      %max3A = arith.constant 0 : i32
      %max3A_38 = vector.broadcast %max3A : i32 to vector<16xi32>
      %max3A_39 = arith.maxsi %sub3A_37, %max3A_38 : vector<16xi32>
      %broadcast_in_dim3A = vector.shape_cast %max3A_39 : vector<16xi32> to vector<16x1xi32>
      %gather3A_40 = vector.shape_cast %broadcast_in_dim3A : vector<16x1xi32> to vector<16xi32>
      %gather3A_41 = tpu.dynamic_gather %exp3A[%gather3A_40] in [0] : vector<16xf32>, vector<16xi32> -> vector<16xf32>
      %broadcast_in_dim3A_42 = vector.shape_cast %max3A_39 : vector<16xi32> to vector<16x1xi32>
      %gather3A_43 = vector.shape_cast %broadcast_in_dim3A_42 : vector<16x1xi32> to vector<16xi32>
      %gather3A_44 = tpu.dynamic_gather %get3A_31[%gather3A_43] in [0] : vector<16xi32>, vector<16xi32> -> vector<16xi32>
      %eq3A = arith.cmpi eq, %get3A_31, %gather3A_44 : vector<16xi32>
      %ge3A = arith.constant 1 : i32
      %ge3A_45 = vector.broadcast %ge3A : i32 to vector<16xi32>
      %ge3A_46 = arith.cmpi sge, %iota3A, %ge3A_45 : vector<16xi32>
      %and3A = arith.andi %eq3A, %ge3A_46 : vector<16xi1>
      %add3A_47 = arith.addf %exp3A, %gather3A_41 : vector<16xf32>
      %select_n3A = arith.select %and3A, %add3A_47, %exp3A : vector<16xi1>, vector<16xf32>
      %sub3A_48 = arith.constant 2 : i32
      %sub3A_49 = vector.broadcast %sub3A_48 : i32 to vector<16xi32>
      %sub3A_50 = arith.subi %iota3A, %sub3A_49 : vector<16xi32>
      %max3A_51 = arith.constant 0 : i32
      %max3A_52 = vector.broadcast %max3A_51 : i32 to vector<16xi32>
      %max3A_53 = arith.maxsi %sub3A_50, %max3A_52 : vector<16xi32>
      %broadcast_in_dim3A_54 = vector.shape_cast %max3A_53 : vector<16xi32> to vector<16x1xi32>
      %gather3A_55 = vector.shape_cast %broadcast_in_dim3A_54 : vector<16x1xi32> to vector<16xi32>
      %gather3A_56 = tpu.dynamic_gather %select_n3A[%gather3A_55] in [0] : vector<16xf32>, vector<16xi32> -> vector<16xf32>
      %broadcast_in_dim3A_57 = vector.shape_cast %max3A_53 : vector<16xi32> to vector<16x1xi32>
      %gather3A_58 = vector.shape_cast %broadcast_in_dim3A_57 : vector<16x1xi32> to vector<16xi32>
      %gather3A_59 = tpu.dynamic_gather %get3A_31[%gather3A_58] in [0] : vector<16xi32>, vector<16xi32> -> vector<16xi32>
      %eq3A_60 = arith.cmpi eq, %get3A_31, %gather3A_59 : vector<16xi32>
      %ge3A_61 = arith.constant 2 : i32
      %ge3A_62 = vector.broadcast %ge3A_61 : i32 to vector<16xi32>
      %ge3A_63 = arith.cmpi sge, %iota3A, %ge3A_62 : vector<16xi32>
      %and3A_64 = arith.andi %eq3A_60, %ge3A_63 : vector<16xi1>
      %add3A_65 = arith.addf %select_n3A, %gather3A_56 : vector<16xf32>
      %select_n3A_66 = arith.select %and3A_64, %add3A_65, %select_n3A : vector<16xi1>, vector<16xf32>
      %sub3A_67 = arith.constant 4 : i32
      %sub3A_68 = vector.broadcast %sub3A_67 : i32 to vector<16xi32>
      %sub3A_69 = arith.subi %iota3A, %sub3A_68 : vector<16xi32>
      %max3A_70 = arith.constant 0 : i32
      %max3A_71 = vector.broadcast %max3A_70 : i32 to vector<16xi32>
      %max3A_72 = arith.maxsi %sub3A_69, %max3A_71 : vector<16xi32>
      %broadcast_in_dim3A_73 = vector.shape_cast %max3A_72 : vector<16xi32> to vector<16x1xi32>
      %gather3A_74 = vector.shape_cast %broadcast_in_dim3A_73 : vector<16x1xi32> to vector<16xi32>
      %gather3A_75 = tpu.dynamic_gather %select_n3A_66[%gather3A_74] in [0] : vector<16xf32>, vector<16xi32> -> vector<16xf32>
      %broadcast_in_dim3A_76 = vector.shape_cast %max3A_72 : vector<16xi32> to vector<16x1xi32>
      %gather3A_77 = vector.shape_cast %broadcast_in_dim3A_76 : vector<16x1xi32> to vector<16xi32>
      %gather3A_78 = tpu.dynamic_gather %get3A_31[%gather3A_77] in [0] : vector<16xi32>, vector<16xi32> -> vector<16xi32>
      %eq3A_79 = arith.cmpi eq, %get3A_31, %gather3A_78 : vector<16xi32>
      %ge3A_80 = arith.constant 4 : i32
      %ge3A_81 = vector.broadcast %ge3A_80 : i32 to vector<16xi32>
      %ge3A_82 = arith.cmpi sge, %iota3A, %ge3A_81 : vector<16xi32>
      %and3A_83 = arith.andi %eq3A_79, %ge3A_82 : vector<16xi1>
      %add3A_84 = arith.addf %select_n3A_66, %gather3A_75 : vector<16xf32>
      %select_n3A_85 = arith.select %and3A_83, %add3A_84, %select_n3A_66 : vector<16xi1>, vector<16xf32>
      %sub3A_86 = arith.constant 8 : i32
      %sub3A_87 = vector.broadcast %sub3A_86 : i32 to vector<16xi32>
      %sub3A_88 = arith.subi %iota3A, %sub3A_87 : vector<16xi32>
      %max3A_89 = arith.constant 0 : i32
      %max3A_90 = vector.broadcast %max3A_89 : i32 to vector<16xi32>
      %max3A_91 = arith.maxsi %sub3A_88, %max3A_90 : vector<16xi32>
      %broadcast_in_dim3A_92 = vector.shape_cast %max3A_91 : vector<16xi32> to vector<16x1xi32>
      %gather3A_93 = vector.shape_cast %broadcast_in_dim3A_92 : vector<16x1xi32> to vector<16xi32>
      %gather3A_94 = tpu.dynamic_gather %select_n3A_85[%gather3A_93] in [0] : vector<16xf32>, vector<16xi32> -> vector<16xf32>
      %broadcast_in_dim3A_95 = vector.shape_cast %max3A_91 : vector<16xi32> to vector<16x1xi32>
      %gather3A_96 = vector.shape_cast %broadcast_in_dim3A_95 : vector<16x1xi32> to vector<16xi32>
      %gather3A_97 = tpu.dynamic_gather %get3A_31[%gather3A_96] in [0] : vector<16xi32>, vector<16xi32> -> vector<16xi32>
      %eq3A_98 = arith.cmpi eq, %get3A_31, %gather3A_97 : vector<16xi32>
      %ge3A_99 = arith.constant 8 : i32
      %ge3A_100 = vector.broadcast %ge3A_99 : i32 to vector<16xi32>
      %ge3A_101 = arith.cmpi sge, %iota3A, %ge3A_100 : vector<16xi32>
      %and3A_102 = arith.andi %eq3A_98, %ge3A_101 : vector<16xi1>
      %add3A_103 = arith.addf %select_n3A_85, %gather3A_94 : vector<16xf32>
      %select_n3A_104 = arith.select %and3A_102, %add3A_103, %select_n3A_85 : vector<16xi1>, vector<16xf32>
      %add3A_105 = arith.constant 1 : i32
      %add3A_106 = vector.broadcast %add3A_105 : i32 to vector<16xi32>
      %add3A_107 = arith.addi %iota3A, %add3A_106 : vector<16xi32>
      %min3A = arith.constant 15 : i32
      %min3A_108 = vector.broadcast %min3A : i32 to vector<16xi32>
      %min3A_109 = arith.minsi %add3A_107, %min3A_108 : vector<16xi32>
      %broadcast_in_dim3A_110 = vector.shape_cast %min3A_109 : vector<16xi32> to vector<16x1xi32>
      %gather3A_111 = vector.shape_cast %broadcast_in_dim3A_110 : vector<16x1xi32> to vector<16xi32>
      %gather3A_112 = tpu.dynamic_gather %get3A_31[%gather3A_111] in [0] : vector<16xi32>, vector<16xi32> -> vector<16xi32>
      %ne3A = arith.cmpi ne, %get3A_31, %gather3A_112 : vector<16xi32>
      %eq3A_113 = arith.constant 15 : i32
      %eq3A_114 = vector.broadcast %eq3A_113 : i32 to vector<16xi32>
      %eq3A_115 = arith.cmpi eq, %iota3A, %eq3A_114 : vector<16xi32>
      %or3A = arith.ori %ne3A, %eq3A_115 : vector<16xi1>
      %gather3A_116 = tpu.vector_load_idx %arg12[%get3A_31] : memref<1024xf32, #tpu.memory_space<vmem>>[vector<16xi32>], vector<16xf32>,
      %add3A_117 = arith.addf %gather3A_116, %select_n3A_104 : vector<16xf32>
      tpu.vector_store_idx %arg12[%get3A_31], %add3A_117 masked %or3A : memref<1024xf32, #tpu.memory_space<vmem>>[vector<16xi32>], vector<16xf32>, vector<16xi1>
      %scan3A_118 = arith.constant 0 : i32
      scf.yield %scan3A_118 : i32
    }
    %scan3A_22 = arith.constant 200 : i32
    "tpu.region"() ({
      %run_scoped3A = tpu.sem_alloc : memref<!tpu.dma_semaphore, #tpu.memory_space<semaphore_mem>>
      %dma_start3A = tpu.memref_slice %arg5[%mul3A_2] : memref<102400xf32, #tpu.memory_space<hbm>> -> memref<3200xf32, #tpu.memory_space<hbm>>
      %dma_start3A_23 = tpu.memref_slice %arg5[%mul3A_2] : memref<102400xf32, #tpu.memory_space<hbm>> -> memref<3200xf32, #tpu.memory_space<hbm>>
      tpu.enqueue_dma source(%arg9 : memref<3200xf32, #tpu.memory_space<vmem>>) target(%dma_start3A_23 : memref<3200xf32, #tpu.memory_space<hbm>>) target_semaphore(%run_scoped3A : memref<!tpu.dma_semaphore, #tpu.memory_space<semaphore_mem>>)
      %dma_wait3A = tpu.memref_slice %arg5[%mul3A_2] : memref<102400xf32, #tpu.memory_space<hbm>> -> memref<3200xf32, #tpu.memory_space<hbm>>
      %dma_wait3A_24 = tpu.memref_slice %arg5[%mul3A_2] : memref<102400xf32, #tpu.memory_space<hbm>> -> memref<3200xf32, #tpu.memory_space<hbm>>
      tpu.wait_dma2 semaphore(%run_scoped3A : memref<!tpu.dma_semaphore, #tpu.memory_space<semaphore_mem>>) src(%arg9 : memref<3200xf32, #tpu.memory_space<vmem>>) dst(%dma_wait3A_24 : memref<3200xf32, #tpu.memory_space<hbm>>)
      tpu.yield
    }) : () -> ()
    "tpu.region"() ({
      %run_scoped3A = tpu.sem_alloc : memref<!tpu.dma_semaphore, #tpu.memory_space<semaphore_mem>>
      %dma_start3A = arith.constant 0 : i32
      %dma_start3A_23 = tpu.memref_slice %arg6[%add3A, %dma_start3A] : memref<32x1024xf32, #tpu.memory_space<hbm>> -> memref<1x1024xf32, #tpu.memory_space<hbm>>
      %dma_start3A_24 = tpu.memref_squeeze %dma_start3A_23 : memref<1x1024xf32, #tpu.memory_space<hbm>> -> memref<1024xf32, #tpu.memory_space<hbm>>
      %dma_start3A_25 = arith.constant 0 : i32
      %dma_start3A_26 = tpu.memref_slice %arg6[%add3A, %dma_start3A_25] : memref<32x1024xf32, #tpu.memory_space<hbm>> -> memref<1x1024xf32, #tpu.memory_space<hbm>>
      %dma_start3A_27 = tpu.memref_squeeze %dma_start3A_26 : memref<1x1024xf32, #tpu.memory_space<hbm>> -> memref<1024xf32, #tpu.memory_space<hbm>>
      tpu.enqueue_dma source(%arg12 : memref<1024xf32, #tpu.memory_space<vmem>>) target(%dma_start3A_27 : memref<1024xf32, #tpu.memory_space<hbm>>) target_semaphore(%run_scoped3A : memref<!tpu.dma_semaphore, #tpu.memory_space<semaphore_mem>>)
      %dma_wait3A = arith.constant 0 : i32
      %dma_wait3A_28 = tpu.memref_slice %arg6[%add3A, %dma_wait3A] : memref<32x1024xf32, #tpu.memory_space<hbm>> -> memref<1x1024xf32, #tpu.memory_space<hbm>>
      %dma_wait3A_29 = tpu.memref_squeeze %dma_wait3A_28 : memref<1x1024xf32, #tpu.memory_space<hbm>> -> memref<1024xf32, #tpu.memory_space<hbm>>
      %dma_wait3A_30 = arith.constant 0 : i32
      %dma_wait3A_31 = tpu.memref_slice %arg6[%add3A, %dma_wait3A_30] : memref<32x1024xf32, #tpu.memory_space<hbm>> -> memref<1x1024xf32, #tpu.memory_space<hbm>>
      %dma_wait3A_32 = tpu.memref_squeeze %dma_wait3A_31 : memref<1x1024xf32, #tpu.memory_space<hbm>> -> memref<1024xf32, #tpu.memory_space<hbm>>
      tpu.wait_dma2 semaphore(%run_scoped3A : memref<!tpu.dma_semaphore, #tpu.memory_space<semaphore_mem>>) src(%arg12 : memref<1024xf32, #tpu.memory_space<vmem>>) dst(%dma_wait3A_32 : memref<1024xf32, #tpu.memory_space<hbm>>)
      tpu.yield
    }) : () -> ()
    return
  }
}

module attributes {stable_mosaic.version = 14 : i64} {
  func.func @_readout_body(%arg0: i32, %arg1: memref<4096x128xf32, #tpu.memory_space<vmem>>, %arg2: memref<32x128xi32, #tpu.memory_space<vmem>>, %arg3: memref<32x128xf32, #tpu.memory_space<vmem>>, %arg4: memref<32x1024xf32, #tpu.memory_space<vmem>>, %arg5: memref<512x256xf32, #tpu.memory_space<vmem>>, %arg6: memref<512x256xf32, #tpu.memory_space<vmem>>, %arg7: memref<512x256xf32, #tpu.memory_space<vmem>>) attributes {dimension_semantics = [#tpu.dimension_semantics<arbitrary>], iteration_bounds = array<i64: 25>, scalar_prefetch = 0 : i64, scratch_operands = 2 : i64, tpu.core_type = #tpu.core_type<tc>, window_params = [{transform_indices = @transform_0, window_bounds = array<i64: 4096, 128>}, {transform_indices = @transform_1, window_bounds = array<i64: 32, 128>}, {transform_indices = @transform_2, window_bounds = array<i64: 32, 128>}, {pipeline_mode = #tpu.pipeline_mode<synchronous>, transform_indices = @transform_3, window_bounds = array<i64: 32, 1024>}, {pipeline_mode = #tpu.pipeline_mode<synchronous>, transform_indices = @transform_4, window_bounds = array<i64: 512, 256>}]} {
    %eq3A = arith.constant 0 : i32
    %eq3A_0 = arith.cmpi eq, %arg0, %eq3A : i32
    %convert_element_type3A = arith.extui %eq3A_0 : i1 to i32
    %cond3A = arith.constant 0 : i32
    %cond3A_1 = arith.cmpi ne, %convert_element_type3A, %cond3A : i32
    scf.if %cond3A_1 {
      %broadcast_in_dim3A_179 = arith.constant 0.000000e+00 : f32
      %broadcast_in_dim3A_180 = vector.broadcast %broadcast_in_dim3A_179 : f32 to vector<512x256xf32>
      %swap3A = arith.constant 0 : index
      %swap3A_181 = arith.constant 0 : index
      %swap3A_182 = vector.load %arg6[%swap3A, %swap3A_181] : memref<512x256xf32, #tpu.memory_space<vmem>>, vector<512x256xf32>
      tpu.vector_store %arg6[%swap3A, %swap3A_181], %broadcast_in_dim3A_180 {strides = array<i32>} : memref<512x256xf32, #tpu.memory_space<vmem>>, vector<512x256xf32>,
      %broadcast_in_dim3A_183 = arith.constant 0.000000e+00 : f32
      %broadcast_in_dim3A_184 = vector.broadcast %broadcast_in_dim3A_183 : f32 to vector<512x256xf32>
      %swap3A_185 = arith.constant 0 : index
      %swap3A_186 = arith.constant 0 : index
      %swap3A_187 = vector.load %arg7[%swap3A_185, %swap3A_186] : memref<512x256xf32, #tpu.memory_space<vmem>>, vector<512x256xf32>
      tpu.vector_store %arg7[%swap3A_185, %swap3A_186], %broadcast_in_dim3A_184 {strides = array<i32>} : memref<512x256xf32, #tpu.memory_space<vmem>>, vector<512x256xf32>,
    } else {
    }
    %iota3A = tpu.iota {dimensions = array<i32: 0>} : vector<4096x1xi32>
    %iota3A_2 = tpu.iota {dimensions = array<i32: 1>} : vector<4096x32xi32>
    %jit3A = arith.constant 128 : i32
    %div3A = vector.broadcast %jit3A : i32 to vector<4096x1xi32>
    %div3A_3 = arith.divsi %iota3A, %div3A : vector<4096x1xi32>
    %sign3A = arith.constant 0 : i32
    %sign3A_4 = vector.broadcast %sign3A : i32 to vector<4096x1xi32>
    %sign3A_5 = arith.cmpi sgt, %iota3A, %sign3A_4 : vector<4096x1xi32>
    %sign3A_6 = arith.extui %sign3A_5 : vector<4096x1xi1> to vector<4096x1xi32>
    %sign3A_7 = arith.constant 0 : i32
    %sign3A_8 = vector.broadcast %sign3A_7 : i32 to vector<4096x1xi32>
    %sign3A_9 = arith.cmpi slt, %iota3A, %sign3A_8 : vector<4096x1xi32>
    %sign3A_10 = arith.extui %sign3A_9 : vector<4096x1xi1> to vector<4096x1xi32>
    %sign3A_11 = arith.subi %sign3A_6, %sign3A_10 : vector<4096x1xi32>
    %sign3A_12 = arith.constant 0 : i32
    %sign3A_13 = arith.cmpi sgt, %jit3A, %sign3A_12 : i32
    %sign3A_14 = arith.extui %sign3A_13 : i1 to i32
    %sign3A_15 = arith.constant 0 : i32
    %sign3A_16 = arith.cmpi slt, %jit3A, %sign3A_15 : i32
    %sign3A_17 = arith.extui %sign3A_16 : i1 to i32
    %sign3A_18 = arith.subi %sign3A_14, %sign3A_17 : i32
    %ne3A = vector.broadcast %sign3A_18 : i32 to vector<4096x1xi32>
    %ne3A_19 = arith.cmpi ne, %sign3A_11, %ne3A : vector<4096x1xi32>
    %rem3A = vector.broadcast %jit3A : i32 to vector<4096x1xi32>
    %rem3A_20 = arith.remsi %iota3A, %rem3A : vector<4096x1xi32>
    %ne3A_21 = arith.constant 0 : i32
    %ne3A_22 = vector.broadcast %ne3A_21 : i32 to vector<4096x1xi32>
    %ne3A_23 = arith.cmpi ne, %rem3A_20, %ne3A_22 : vector<4096x1xi32>
    %and3A = arith.andi %ne3A_19, %ne3A_23 : vector<4096x1xi1>
    %sub3A = arith.constant 1 : i32
    %sub3A_24 = vector.broadcast %sub3A : i32 to vector<4096x1xi32>
    %sub3A_25 = arith.subi %div3A_3, %sub3A_24 : vector<4096x1xi32>
    %select_n3A = arith.select %and3A, %sub3A_25, %div3A_3 : vector<4096x1xi1>, vector<4096x1xi32>
    %eq3A_26 = vector.broadcast %select_n3A : vector<4096x1xi32> to vector<4096x32xi32>
    %eq3A_27 = arith.cmpi eq, %eq3A_26, %iota3A_2 : vector<4096x32xi32>
    %convert_element_type3A_28 = arith.extui %eq3A_27 : vector<4096x32xi1> to vector<4096x32xi32>
    %convert_element_type3A_29 = arith.sitofp %convert_element_type3A_28 : vector<4096x32xi32> to vector<4096x32xf32>
    %iota3A_30 = tpu.iota {dimensions = array<i32: 1>} : vector<4096x128xi32>
    %jit3A_31 = arith.constant 128 : i32
    %eq3A_32 = arith.constant 0 : i32
    %eq3A_33 = arith.cmpi eq, %jit3A_31, %eq3A_32 : i32
    %jit3A_34 = arith.constant 1 : i32
    %select_n3A_35 = arith.select %eq3A_33, %jit3A_34, %jit3A_31 : i32
    %rem3A_36 = vector.broadcast %select_n3A_35 : i32 to vector<4096x1xi32>
    %rem3A_37 = arith.remsi %iota3A, %rem3A_36 : vector<4096x1xi32>
    %ne3A_38 = arith.constant 0 : i32
    %ne3A_39 = vector.broadcast %ne3A_38 : i32 to vector<4096x1xi32>
    %ne3A_40 = arith.cmpi ne, %rem3A_37, %ne3A_39 : vector<4096x1xi32>
    %lt3A = arith.constant 0 : i32
    %lt3A_41 = vector.broadcast %lt3A : i32 to vector<4096x1xi32>
    %lt3A_42 = arith.cmpi slt, %rem3A_37, %lt3A_41 : vector<4096x1xi32>
    %lt3A_43 = arith.constant 0 : i32
    %lt3A_44 = arith.cmpi slt, %select_n3A_35, %lt3A_43 : i32
    %ne3A_45 = vector.broadcast %lt3A_44 : i1 to vector<4096x1xi1>
    %ne3A_46 = vector.broadcast %ne3A_45 : vector<4096x1xi1> to vector<4096x1xi1>
    %ne3A_47 = arith.xori %lt3A_42, %ne3A_46 : vector<4096x1xi1>
    %and3A_48 = arith.andi %ne3A_47, %ne3A_40 : vector<4096x1xi1>
    %add3A = vector.broadcast %select_n3A_35 : i32 to vector<4096x1xi32>
    %add3A_49 = arith.addi %rem3A_37, %add3A : vector<4096x1xi32>
    %select_n3A_50 = arith.select %and3A_48, %add3A_49, %rem3A_37 : vector<4096x1xi1>, vector<4096x1xi32>
    %eq3A_51 = vector.broadcast %select_n3A_50 : vector<4096x1xi32> to vector<4096x128xi32>
    %eq3A_52 = arith.cmpi eq, %iota3A_30, %eq3A_51 : vector<4096x128xi32>
    %convert_element_type3A_53 = arith.extui %eq3A_52 : vector<4096x128xi1> to vector<4096x128xi32>
    %convert_element_type3A_54 = arith.sitofp %convert_element_type3A_53 : vector<4096x128xi32> to vector<4096x128xf32>
    %get3A = arith.constant 0 : index
    %get3A_55 = arith.constant 0 : index
    %get3A_56 = vector.load %arg2[%get3A, %get3A_55] : memref<32x128xi32, #tpu.memory_space<vmem>>, vector<32x128xi32>
    %shift_right_arithmetic3A = arith.constant 6 : i32
    %shift_right_arithmetic3A_57 = vector.broadcast %shift_right_arithmetic3A : i32 to vector<32x128xi32>
    %shift_right_arithmetic3A_58 = arith.shrsi %get3A_56, %shift_right_arithmetic3A_57 : vector<32x128xi32>
    %convert_element_type3A_59 = arith.sitofp %shift_right_arithmetic3A_58 : vector<32x128xi32> to vector<32x128xf32>
    %dot_general3A = arith.constant dense<0.000000e+00> : vector<4096x128xf32>
    %dot_general3A_60 = tpu.matmul %convert_element_type3A_29, %convert_element_type3A_59, %dot_general3A {dimension_numbers = #tpu.dot_dimension_numbers<[1], [0], [0], [1], [0, 0, 1, 1], [], []>, transpose_lhs_hint = false} : vector<4096x32xf32>, vector<32x128xf32>, vector<4096x128xf32> -> vector<4096x128xf32>
    %and3A_61 = arith.constant 63 : i32
    %and3A_62 = vector.broadcast %and3A_61 : i32 to vector<32x128xi32>
    %and3A_63 = arith.andi %get3A_56, %and3A_62 : vector<32x128xi32>
    %convert_element_type3A_64 = arith.sitofp %and3A_63 : vector<32x128xi32> to vector<32x128xf32>
    %dot_general3A_65 = arith.constant dense<0.000000e+00> : vector<4096x128xf32>
    %dot_general3A_66 = tpu.matmul %convert_element_type3A_29, %convert_element_type3A_64, %dot_general3A_65 {dimension_numbers = #tpu.dot_dimension_numbers<[1], [0], [0], [1], [0, 0, 1, 1], [], []>, transpose_lhs_hint = false} : vector<4096x32xf32>, vector<32x128xf32>, vector<4096x128xf32> -> vector<4096x128xf32>
    %get3A_67 = arith.constant 0 : index
    %get3A_68 = arith.constant 0 : index
    %get3A_69 = vector.load %arg3[%get3A_67, %get3A_68] : memref<32x128xf32, #tpu.memory_space<vmem>>, vector<32x128xf32>
    %convert_element_type3A_70 = arith.truncf %get3A_69 : vector<32x128xf32> to vector<32x128xbf16>
    %convert_element_type3A_71 = arith.extf %convert_element_type3A_70 : vector<32x128xbf16> to vector<32x128xf32>
    %dot_general3A_72 = arith.constant dense<0.000000e+00> : vector<4096x128xf32>
    %dot_general3A_73 = tpu.matmul %convert_element_type3A_29, %convert_element_type3A_71, %dot_general3A_72 {dimension_numbers = #tpu.dot_dimension_numbers<[1], [0], [0], [1], [0, 0, 1, 1], [], []>, transpose_lhs_hint = false} : vector<4096x32xf32>, vector<32x128xf32>, vector<4096x128xf32> -> vector<4096x128xf32>
    %sub3A_74 = arith.subf %get3A_69, %convert_element_type3A_71 : vector<32x128xf32>
    %dot_general3A_75 = arith.constant dense<0.000000e+00> : vector<4096x128xf32>
    %dot_general3A_76 = tpu.matmul %convert_element_type3A_29, %sub3A_74, %dot_general3A_75 {dimension_numbers = #tpu.dot_dimension_numbers<[1], [0], [0], [1], [0, 0, 1, 1], [], []>, transpose_lhs_hint = false} : vector<4096x32xf32>, vector<32x128xf32>, vector<4096x128xf32> -> vector<4096x128xf32>
    %add3A_77 = arith.addf %dot_general3A_73, %dot_general3A_76 : vector<4096x128xf32>
    %mul3A = arith.constant 6.400000e+01 : f32
    %mul3A_78 = vector.broadcast %mul3A : f32 to vector<4096x128xf32>
    %mul3A_79 = arith.mulf %mul3A_78, %dot_general3A_60 : vector<4096x128xf32>
    %add3A_80 = arith.addf %mul3A_79, %dot_general3A_66 : vector<4096x128xf32>
    %mul3A_81 = arith.mulf %add3A_80, %convert_element_type3A_54 : vector<4096x128xf32>
    %reduce_sum3A = arith.constant dense<0.000000e+00> : vector<4096xf32>
    %reduce_sum3A_82 = vector.multi_reduction <add>, %mul3A_81, %reduce_sum3A [1] : vector<4096x128xf32> to vector<4096xf32>
    %broadcast_in_dim3A = vector.shape_cast %reduce_sum3A_82 : vector<4096xf32> to vector<4096x1xf32>
    %add3A_83 = arith.constant 5.000000e-01 : f32
    %add3A_84 = vector.broadcast %add3A_83 : f32 to vector<4096x1xf32>
    %add3A_85 = arith.addf %broadcast_in_dim3A, %add3A_84 : vector<4096x1xf32>
    %convert_element_type3A_86 = arith.fptosi %add3A_85 : vector<4096x1xf32> to vector<4096x1xi32>
    %mul3A_87 = arith.mulf %add3A_77, %convert_element_type3A_54 : vector<4096x128xf32>
    %reduce_sum3A_88 = arith.constant dense<0.000000e+00> : vector<4096xf32>
    %reduce_sum3A_89 = vector.multi_reduction <add>, %mul3A_87, %reduce_sum3A_88 [1] : vector<4096x128xf32> to vector<4096xf32>
    %broadcast_in_dim3A_90 = vector.shape_cast %reduce_sum3A_89 : vector<4096xf32> to vector<4096x1xf32>
    %iota3A_91 = tpu.iota {dimensions = array<i32: 1>} : vector<4096x512xi32>
    %shift_right_arithmetic3A_92 = arith.constant 1 : i32
    %shift_right_arithmetic3A_93 = vector.broadcast %shift_right_arithmetic3A_92 : i32 to vector<4096x1xi32>
    %shift_right_arithmetic3A_94 = arith.shrsi %convert_element_type3A_86, %shift_right_arithmetic3A_93 : vector<4096x1xi32>
    %eq3A_95 = vector.broadcast %shift_right_arithmetic3A_94 : vector<4096x1xi32> to vector<4096x512xi32>
    %eq3A_96 = arith.cmpi eq, %eq3A_95, %iota3A_91 : vector<4096x512xi32>
    %convert_element_type3A_97 = arith.extui %eq3A_96 : vector<4096x512xi1> to vector<4096x512xi32>
    %convert_element_type3A_98 = arith.sitofp %convert_element_type3A_97 : vector<4096x512xi32> to vector<4096x512xf32>
    %convert_element_type3A_99 = arith.truncf %convert_element_type3A_98 : vector<4096x512xf32> to vector<4096x512xbf16>
    %and3A_100 = arith.constant 1 : i32
    %and3A_101 = vector.broadcast %and3A_100 : i32 to vector<4096x1xi32>
    %and3A_102 = arith.andi %convert_element_type3A_86, %and3A_101 : vector<4096x1xi32>
    %eq3A_103 = arith.constant 1 : i32
    %eq3A_104 = vector.broadcast %eq3A_103 : i32 to vector<4096x1xi32>
    %eq3A_105 = arith.cmpi eq, %and3A_102, %eq3A_104 : vector<4096x1xi32>
    %mul3A_106 = arith.constant 4096 : i32
    %mul3A_107 = arith.muli %arg0, %mul3A_106 : i32
    %add3A_108 = vector.broadcast %mul3A_107 : i32 to vector<4096x1xi32>
    %add3A_109 = arith.addi %add3A_108, %iota3A : vector<4096x1xi32>
    %lt3A_110 = arith.constant 100000 : i32
    %lt3A_111 = vector.broadcast %lt3A_110 : i32 to vector<4096x1xi32>
    %lt3A_112 = arith.cmpi slt, %add3A_109, %lt3A_111 : vector<4096x1xi32>
    %get3A_113 = arith.constant 0 : index
    %get3A_114 = arith.constant 0 : index
    %get3A_115 = vector.load %arg1[%get3A_113, %get3A_114] : memref<4096x128xf32, #tpu.memory_space<vmem>>, vector<4096x128xf32>
    %mul3A_116 = vector.broadcast %broadcast_in_dim3A_90 : vector<4096x1xf32> to vector<4096x128xf32>
    %mul3A_117 = arith.mulf %mul3A_116, %get3A_115 : vector<4096x128xf32>
    %jit3A_118 = arith.constant 0.000000e+00 : f32
    %broadcast_in_dim3A_119 = vector.shape_cast %lt3A_112 : vector<4096x1xi1> to vector<4096x1xi1>
    %broadcast_in_dim3A_120 = vector.broadcast %broadcast_in_dim3A_119 : vector<4096x1xi1> to vector<4096x128xi1>
    %broadcast_in_dim3A_121 = vector.broadcast %jit3A_118 : f32 to vector<4096x128xf32>
    %select_n3A_122 = arith.select %broadcast_in_dim3A_120, %mul3A_117, %broadcast_in_dim3A_121 : vector<4096x128xi1>, vector<4096x128xf32>
    %convert_element_type3A_123 = arith.truncf %select_n3A_122 : vector<4096x128xf32> to vector<4096x128xbf16>
    %jit3A_124 = arith.constant 0.000000e+00 : bf16
    %broadcast_in_dim3A_125 = vector.shape_cast %eq3A_105 : vector<4096x1xi1> to vector<4096x1xi1>
    %broadcast_in_dim3A_126 = vector.broadcast %broadcast_in_dim3A_125 : vector<4096x1xi1> to vector<4096x128xi1>
    %broadcast_in_dim3A_127 = vector.broadcast %jit3A_124 : bf16 to vector<4096x128xbf16>
    %select_n3A_128 = arith.select %broadcast_in_dim3A_126, %convert_element_type3A_123, %broadcast_in_dim3A_127 : vector<4096x128xi1>, vector<4096x128xbf16>
    %sub3A_129 = arith.subf %convert_element_type3A_123, %select_n3A_128 : vector<4096x128xbf16>
    %concatenate3A = tpu.concatenate %sub3A_129, %select_n3A_128 in 1 : vector<4096x128xbf16>, vector<4096x128xbf16> -> vector<4096x256xbf16>
    %dot_general3A_130 = arith.constant dense<0.000000e+00> : vector<512x256xf32>
    %dot_general3A_131 = tpu.matmul %convert_element_type3A_99, %concatenate3A, %dot_general3A_130 {dimension_numbers = #tpu.dot_dimension_numbers<[0], [0], [1], [1], [0, 1, 1, 1], [], []>, transpose_lhs_hint = false} : vector<4096x512xbf16>, vector<4096x256xbf16>, vector<512x256xf32> -> vector<512x256xf32>
    %jit3A_132 = arith.constant 2 : i32
    %eq3A_133 = arith.constant 0 : i32
    %eq3A_134 = arith.cmpi eq, %jit3A_132, %eq3A_133 : i32
    %jit3A_135 = arith.constant 1 : i32
    %select_n3A_136 = arith.select %eq3A_134, %jit3A_135, %jit3A_132 : i32
    %rem3A_137 = arith.remsi %arg0, %select_n3A_136 : i32
    %ne3A_138 = arith.constant 0 : i32
    %ne3A_139 = arith.cmpi ne, %rem3A_137, %ne3A_138 : i32
    %lt3A_140 = arith.constant 0 : i32
    %lt3A_141 = arith.cmpi slt, %rem3A_137, %lt3A_140 : i32
    %lt3A_142 = arith.constant 0 : i32
    %lt3A_143 = arith.cmpi slt, %select_n3A_136, %lt3A_142 : i32
    %ne3A_144 = arith.xori %lt3A_141, %lt3A_143 : i1
    %and3A_145 = arith.andi %ne3A_144, %ne3A_139 : i1
    %add3A_146 = arith.addi %rem3A_137, %select_n3A_136 : i32
    %select_n3A_147 = arith.select %and3A_145, %add3A_146, %rem3A_137 : i32
    %eq3A_148 = arith.constant 0 : i32
    %eq3A_149 = arith.cmpi eq, %select_n3A_147, %eq3A_148 : i32
    %convert_element_type3A_150 = arith.extui %eq3A_149 : i1 to i32
    %cond3A_151 = arith.constant 0 : i32
    %cond3A_152 = arith.cmpi ne, %convert_element_type3A_150, %cond3A_151 : i32
    scf.if %cond3A_152 {
      %get3A_179 = arith.constant 0 : index
      %get3A_180 = arith.constant 0 : index
      %get3A_181 = vector.load %arg6[%get3A_179, %get3A_180] : memref<512x256xf32, #tpu.memory_space<vmem>>, vector<512x256xf32>
      %add3A_182 = arith.addf %get3A_181, %dot_general3A_131 : vector<512x256xf32>
      %swap3A = arith.constant 0 : index
      %swap3A_183 = arith.constant 0 : index
      %swap3A_184 = vector.load %arg6[%swap3A, %swap3A_183] : memref<512x256xf32, #tpu.memory_space<vmem>>, vector<512x256xf32>
      tpu.vector_store %arg6[%swap3A, %swap3A_183], %add3A_182 {strides = array<i32>} : memref<512x256xf32, #tpu.memory_space<vmem>>, vector<512x256xf32>,
    } else {
    }
    %jit3A_153 = arith.constant 2 : i32
    %eq3A_154 = arith.constant 0 : i32
    %eq3A_155 = arith.cmpi eq, %jit3A_153, %eq3A_154 : i32
    %jit3A_156 = arith.constant 1 : i32
    %select_n3A_157 = arith.select %eq3A_155, %jit3A_156, %jit3A_153 : i32
    %rem3A_158 = arith.remsi %arg0, %select_n3A_157 : i32
    %ne3A_159 = arith.constant 0 : i32
    %ne3A_160 = arith.cmpi ne, %rem3A_158, %ne3A_159 : i32
    %lt3A_161 = arith.constant 0 : i32
    %lt3A_162 = arith.cmpi slt, %rem3A_158, %lt3A_161 : i32
    %lt3A_163 = arith.constant 0 : i32
    %lt3A_164 = arith.cmpi slt, %select_n3A_157, %lt3A_163 : i32
    %ne3A_165 = arith.xori %lt3A_162, %lt3A_164 : i1
    %and3A_166 = arith.andi %ne3A_165, %ne3A_160 : i1
    %add3A_167 = arith.addi %rem3A_158, %select_n3A_157 : i32
    %select_n3A_168 = arith.select %and3A_166, %add3A_167, %rem3A_158 : i32
    %eq3A_169 = arith.constant 1 : i32
    %eq3A_170 = arith.cmpi eq, %select_n3A_168, %eq3A_169 : i32
    %convert_element_type3A_171 = arith.extui %eq3A_170 : i1 to i32
    %cond3A_172 = arith.constant 0 : i32
    %cond3A_173 = arith.cmpi ne, %convert_element_type3A_171, %cond3A_172 : i32
    scf.if %cond3A_173 {
      %get3A_179 = arith.constant 0 : index
      %get3A_180 = arith.constant 0 : index
      %get3A_181 = vector.load %arg7[%get3A_179, %get3A_180] : memref<512x256xf32, #tpu.memory_space<vmem>>, vector<512x256xf32>
      %add3A_182 = arith.addf %get3A_181, %dot_general3A_131 : vector<512x256xf32>
      %swap3A = arith.constant 0 : index
      %swap3A_183 = arith.constant 0 : index
      %swap3A_184 = vector.load %arg7[%swap3A, %swap3A_183] : memref<512x256xf32, #tpu.memory_space<vmem>>, vector<512x256xf32>
      tpu.vector_store %arg7[%swap3A, %swap3A_183], %add3A_182 {strides = array<i32>} : memref<512x256xf32, #tpu.memory_space<vmem>>, vector<512x256xf32>,
    } else {
    }
    %eq3A_174 = arith.constant 24 : i32
    %eq3A_175 = arith.cmpi eq, %arg0, %eq3A_174 : i32
    %convert_element_type3A_176 = arith.extui %eq3A_175 : i1 to i32
    %cond3A_177 = arith.constant 0 : i32
    %cond3A_178 = arith.cmpi ne, %convert_element_type3A_176, %cond3A_177 : i32
    scf.if %cond3A_178 {
      %broadcast_in_dim3A_179 = arith.constant 1.000000e+00 : f32
      %broadcast_in_dim3A_180 = vector.broadcast %broadcast_in_dim3A_179 : f32 to vector<32x1xf32>
      %get3A_181 = arith.constant 0 : index
      %get3A_182 = arith.constant 0 : index
      %get3A_183 = vector.load %arg4[%get3A_181, %get3A_182] : memref<32x1024xf32, #tpu.memory_space<vmem>>, vector<32x1024xf32>
      %dot_general3A_184 = arith.constant dense<0.000000e+00> : vector<1024x1xf32>
      %dot_general3A_185 = tpu.matmul %get3A_183, %broadcast_in_dim3A_180, %dot_general3A_184 {dimension_numbers = #tpu.dot_dimension_numbers<[0], [0], [1], [1], [0, 1, 1, 1], [], []>, transpose_lhs_hint = false} : vector<32x1024xf32>, vector<32x1xf32>, vector<1024x1xf32> -> vector<1024x1xf32>
      %iota3A_186 = tpu.iota {dimensions = array<i32: 0>} : vector<512x1024xi32>
      %iota3A_187 = tpu.iota {dimensions = array<i32: 1>} : vector<512x1024xi32>
      %mul3A_188 = arith.constant 2 : i32
      %mul3A_189 = vector.broadcast %mul3A_188 : i32 to vector<512x1024xi32>
      %mul3A_190 = arith.muli %mul3A_189, %iota3A_186 : vector<512x1024xi32>
      %eq3A_191 = arith.cmpi eq, %mul3A_190, %iota3A_187 : vector<512x1024xi32>
      %convert_element_type3A_192 = arith.extui %eq3A_191 : vector<512x1024xi1> to vector<512x1024xi32>
      %convert_element_type3A_193 = arith.sitofp %convert_element_type3A_192 : vector<512x1024xi32> to vector<512x1024xf32>
      %mul3A_194 = arith.constant 2 : i32
      %mul3A_195 = vector.broadcast %mul3A_194 : i32 to vector<512x1024xi32>
      %mul3A_196 = arith.muli %mul3A_195, %iota3A_186 : vector<512x1024xi32>
      %add3A_197 = arith.constant 1 : i32
      %add3A_198 = vector.broadcast %add3A_197 : i32 to vector<512x1024xi32>
      %add3A_199 = arith.addi %mul3A_196, %add3A_198 : vector<512x1024xi32>
      %eq3A_200 = arith.cmpi eq, %add3A_199, %iota3A_187 : vector<512x1024xi32>
      %convert_element_type3A_201 = arith.extui %eq3A_200 : vector<512x1024xi1> to vector<512x1024xi32>
      %convert_element_type3A_202 = arith.sitofp %convert_element_type3A_201 : vector<512x1024xi32> to vector<512x1024xf32>
      %dot_general3A_203 = arith.constant dense<0.000000e+00> : vector<512x1xf32>
      %dot_general3A_204 = tpu.matmul %convert_element_type3A_193, %dot_general3A_185, %dot_general3A_203 {dimension_numbers = #tpu.dot_dimension_numbers<[1], [0], [0], [1], [0, 0, 1, 1], [], []>, transpose_lhs_hint = false} : vector<512x1024xf32>, vector<1024x1xf32>, vector<512x1xf32> -> vector<512x1xf32>
      %dot_general3A_205 = arith.constant dense<0.000000e+00> : vector<512x1xf32>
      %dot_general3A_206 = tpu.matmul %convert_element_type3A_202, %dot_general3A_185, %dot_general3A_205 {dimension_numbers = #tpu.dot_dimension_numbers<[1], [0], [0], [1], [0, 0, 1, 1], [], []>, transpose_lhs_hint = false} : vector<512x1024xf32>, vector<1024x1xf32>, vector<512x1xf32> -> vector<512x1xf32>
      %iota3A_207 = tpu.iota {dimensions = array<i32: 1>} : vector<512x256xi32>
      %ge3A = arith.constant 128 : i32
      %ge3A_208 = vector.broadcast %ge3A : i32 to vector<512x256xi32>
      %ge3A_209 = arith.cmpi sge, %iota3A_207, %ge3A_208 : vector<512x256xi32>
      %broadcast_in_dim3A_210 = vector.shape_cast %dot_general3A_206 : vector<512x1xf32> to vector<512x1xf32>
      %broadcast_in_dim3A_211 = vector.broadcast %broadcast_in_dim3A_210 : vector<512x1xf32> to vector<512x256xf32>
      %broadcast_in_dim3A_212 = vector.shape_cast %dot_general3A_204 : vector<512x1xf32> to vector<512x1xf32>
      %broadcast_in_dim3A_213 = vector.broadcast %broadcast_in_dim3A_212 : vector<512x1xf32> to vector<512x256xf32>
      %select_n3A_214 = arith.select %ge3A_209, %broadcast_in_dim3A_211, %broadcast_in_dim3A_213 : vector<512x256xi1>, vector<512x256xf32>
      %get3A_215 = arith.constant 0 : index
      %get3A_216 = arith.constant 0 : index
      %get3A_217 = vector.load %arg6[%get3A_215, %get3A_216] : memref<512x256xf32, #tpu.memory_space<vmem>>, vector<512x256xf32>
      %get3A_218 = arith.constant 0 : index
      %get3A_219 = arith.constant 0 : index
      %get3A_220 = vector.load %arg7[%get3A_218, %get3A_219] : memref<512x256xf32, #tpu.memory_space<vmem>>, vector<512x256xf32>
      %add3A_221 = arith.addf %get3A_217, %get3A_220 : vector<512x256xf32>
      %add3A_222 = arith.constant 1.000000e-16 : f32
      %add3A_223 = vector.broadcast %add3A_222 : f32 to vector<512x256xf32>
      %add3A_224 = arith.addf %select_n3A_214, %add3A_223 : vector<512x256xf32>
      %div3A_225 = arith.divf %add3A_221, %add3A_224 : vector<512x256xf32>
      %swap3A = arith.constant 0 : index
      %swap3A_226 = arith.constant 0 : index
      %swap3A_227 = vector.load %arg5[%swap3A, %swap3A_226] : memref<512x256xf32, #tpu.memory_space<vmem>>, vector<512x256xf32>
      tpu.vector_store %arg5[%swap3A, %swap3A_226], %div3A_225 {strides = array<i32>} : memref<512x256xf32, #tpu.memory_space<vmem>>, vector<512x256xf32>,
    } else {
    }
    return
  }
  func.func @transform_0(%arg0: i32) -> (i32, i32) {
    %c0_i32 = arith.constant 0 : i32
    %c0_i32_0 = arith.constant 0 : i32
    return %arg0, %c0_i32 : i32, i32
  }
  func.func @transform_1(%arg0: i32) -> (i32, i32) {
    %c0_i32 = arith.constant 0 : i32
    %c0_i32_0 = arith.constant 0 : i32
    return %arg0, %c0_i32 : i32, i32
  }
  func.func @transform_2(%arg0: i32) -> (i32, i32) {
    %c0_i32 = arith.constant 0 : i32
    %c0_i32_0 = arith.constant 0 : i32
    return %arg0, %c0_i32 : i32, i32
  }
  func.func @transform_3(%arg0: i32) -> (i32, i32) {
    %c0_i32 = arith.constant 0 : i32
    %c0_i32_0 = arith.constant 0 : i32
    %c0_i32_1 = arith.constant 0 : i32
    return %c0_i32, %c0_i32_0 : i32, i32
  }
  func.func @transform_4(%arg0: i32) -> (i32, i32) {
    %c0_i32 = arith.constant 0 : i32
    %c0_i32_0 = arith.constant 0 : i32
    %c0_i32_1 = arith.constant 0 : i32
    return %c0_i32, %c0_i32_0 : i32, i32
  }
}

module attributes {stable_mosaic.version = 14 : i64} {
  func.func @_gate_body(%arg0: i32, %arg1: memref<4096x128xf32, #tpu.memory_space<vmem>>, %arg2: memref<128x64xf32, #tpu.memory_space<vmem>>, %arg3: memref<64x1xf32, #tpu.memory_space<vmem>>, %arg4: memref<64x1xf32, #tpu.memory_space<vmem>>, %arg5: memref<1x1xf32, #tpu.memory_space<vmem>>, %arg6: memref<32x128xf32, #tpu.memory_space<vmem>>) attributes {dimension_semantics = [#tpu.dimension_semantics<arbitrary>], iteration_bounds = array<i64: 25>, scalar_prefetch = 0 : i64, scratch_operands = 0 : i64, tpu.core_type = #tpu.core_type<tc>, window_params = [{transform_indices = @transform_0, window_bounds = array<i64: 4096, 128>}, {pipeline_mode = #tpu.pipeline_mode<synchronous>, transform_indices = @transform_1, window_bounds = array<i64: 128, 64>}, {pipeline_mode = #tpu.pipeline_mode<synchronous>, transform_indices = @transform_2, window_bounds = array<i64: 64, 1>}, {pipeline_mode = #tpu.pipeline_mode<synchronous>, transform_indices = @transform_3, window_bounds = array<i64: 64, 1>}, {pipeline_mode = #tpu.pipeline_mode<synchronous>, transform_indices = @transform_4, window_bounds = array<i64: 1, 1>}, {transform_indices = @transform_5, window_bounds = array<i64: 32, 128>}]} {
    %get3A = arith.constant 0 : index
    %get3A_0 = arith.constant 0 : index
    %get3A_1 = vector.load %arg2[%get3A, %get3A_0] : memref<128x64xf32, #tpu.memory_space<vmem>>, vector<128x64xf32>
    %get3A_2 = arith.constant 0 : index
    %get3A_3 = arith.constant 0 : index
    %get3A_4 = vector.load %arg1[%get3A_2, %get3A_3] : memref<4096x128xf32, #tpu.memory_space<vmem>>, vector<4096x128xf32>
    %dot_general3A = arith.constant dense<0.000000e+00> : vector<64x4096xf32>
    %dot_general3A_5 = tpu.matmul %get3A_1, %get3A_4, %dot_general3A {dimension_numbers = #tpu.dot_dimension_numbers<[0], [1], [1], [0], [0, 1, 1, 0], [], []>, transpose_lhs_hint = false} : vector<128x64xf32>, vector<4096x128xf32>, vector<64x4096xf32> -> vector<64x4096xf32>
    %get3A_6 = arith.constant 0 : index
    %get3A_7 = arith.constant 0 : index
    %get3A_8 = vector.load %arg3[%get3A_6, %get3A_7] : memref<64x1xf32, #tpu.memory_space<vmem>>, vector<64x1xf32>
    %add3A = vector.broadcast %get3A_8 : vector<64x1xf32> to vector<64x4096xf32>
    %add3A_9 = arith.addf %dot_general3A_5, %add3A : vector<64x4096xf32>
    %tanh3A = math.tanh %add3A_9 : vector<64x4096xf32>
    %get3A_10 = arith.constant 0 : index
    %get3A_11 = arith.constant 0 : index
    %get3A_12 = vector.load %arg4[%get3A_10, %get3A_11] : memref<64x1xf32, #tpu.memory_space<vmem>>, vector<64x1xf32>
    %slice3A = vector.extract_strided_slice %tanh3A {offsets = [0, 0], sizes = [64, 128], strides = [1, 1]} : vector<64x4096xf32> to vector<64x128xf32>
    %dot_general3A_13 = arith.constant dense<0.000000e+00> : vector<1x128xf32>
    %dot_general3A_14 = tpu.matmul %get3A_12, %slice3A, %dot_general3A_13 {dimension_numbers = #tpu.dot_dimension_numbers<[0], [0], [1], [1], [0, 1, 1, 1], [], []>, transpose_lhs_hint = false} : vector<64x1xf32>, vector<64x128xf32>, vector<1x128xf32> -> vector<1x128xf32>
    %get3A_15 = arith.constant 0 : index
    %get3A_16 = arith.constant 0 : index
    %get3A_17 = vector.load %arg5[%get3A_15, %get3A_16] : memref<1x1xf32, #tpu.memory_space<vmem>>, vector<1x1xf32>
    %add3A_18 = vector.broadcast %get3A_17 : vector<1x1xf32> to vector<1x128xf32>
    %add3A_19 = arith.addf %dot_general3A_14, %add3A_18 : vector<1x128xf32>
    %mul3A = arith.constant 4096 : i32
    %mul3A_20 = arith.muli %arg0, %mul3A : i32
    %add3A_21 = arith.constant 0 : i32
    %add3A_22 = arith.addi %mul3A_20, %add3A_21 : i32
    %iota3A = tpu.iota {dimensions = array<i32: 1>} : vector<1x128xi32>
    %add3A_23 = vector.broadcast %add3A_22 : i32 to vector<1x128xi32>
    %add3A_24 = arith.addi %add3A_23, %iota3A : vector<1x128xi32>
    %lt3A = arith.constant 100000 : i32
    %lt3A_25 = vector.broadcast %lt3A : i32 to vector<1x128xi32>
    %lt3A_26 = arith.cmpi slt, %add3A_24, %lt3A_25 : vector<1x128xi32>
    %jit3A = arith.constant -3.000000e+38 : f32
    %broadcast_in_dim3A = vector.broadcast %jit3A : f32 to vector<1x128xf32>
    %select_n3A = arith.select %lt3A_26, %add3A_19, %broadcast_in_dim3A : vector<1x128xi1>, vector<1x128xf32>
    %swap3A = arith.constant 0 : index
    %swap3A_27 = arith.constant 0 : index
    %swap3A_28 = vector.load %arg6[%swap3A, %swap3A_27] : memref<32x128xf32, #tpu.memory_space<vmem>>, vector<1x128xf32>
    tpu.vector_store %arg6[%swap3A, %swap3A_27], %select_n3A {strides = array<i32>} : memref<32x128xf32, #tpu.memory_space<vmem>>, vector<1x128xf32>,
    %get3A_29 = arith.constant 0 : index
    %get3A_30 = arith.constant 0 : index
    %get3A_31 = vector.load %arg4[%get3A_29, %get3A_30] : memref<64x1xf32, #tpu.memory_space<vmem>>, vector<64x1xf32>
    %slice3A_32 = vector.extract_strided_slice %tanh3A {offsets = [0, 128], sizes = [64, 128], strides = [1, 1]} : vector<64x4096xf32> to vector<64x128xf32>
    %dot_general3A_33 = arith.constant dense<0.000000e+00> : vector<1x128xf32>
    %dot_general3A_34 = tpu.matmul %get3A_31, %slice3A_32, %dot_general3A_33 {dimension_numbers = #tpu.dot_dimension_numbers<[0], [0], [1], [1], [0, 1, 1, 1], [], []>, transpose_lhs_hint = false} : vector<64x1xf32>, vector<64x128xf32>, vector<1x128xf32> -> vector<1x128xf32>
    %get3A_35 = arith.constant 0 : index
    %get3A_36 = arith.constant 0 : index
    %get3A_37 = vector.load %arg5[%get3A_35, %get3A_36] : memref<1x1xf32, #tpu.memory_space<vmem>>, vector<1x1xf32>
    %add3A_38 = vector.broadcast %get3A_37 : vector<1x1xf32> to vector<1x128xf32>
    %add3A_39 = arith.addf %dot_general3A_34, %add3A_38 : vector<1x128xf32>
    %mul3A_40 = arith.constant 4096 : i32
    %mul3A_41 = arith.muli %arg0, %mul3A_40 : i32
    %add3A_42 = arith.constant 128 : i32
    %add3A_43 = arith.addi %mul3A_41, %add3A_42 : i32
    %iota3A_44 = tpu.iota {dimensions = array<i32: 1>} : vector<1x128xi32>
    %add3A_45 = vector.broadcast %add3A_43 : i32 to vector<1x128xi32>
    %add3A_46 = arith.addi %add3A_45, %iota3A_44 : vector<1x128xi32>
    %lt3A_47 = arith.constant 100000 : i32
    %lt3A_48 = vector.broadcast %lt3A_47 : i32 to vector<1x128xi32>
    %lt3A_49 = arith.cmpi slt, %add3A_46, %lt3A_48 : vector<1x128xi32>
    %jit3A_50 = arith.constant -3.000000e+38 : f32
    %broadcast_in_dim3A_51 = vector.broadcast %jit3A_50 : f32 to vector<1x128xf32>
    %select_n3A_52 = arith.select %lt3A_49, %add3A_39, %broadcast_in_dim3A_51 : vector<1x128xi1>, vector<1x128xf32>
    %swap3A_53 = arith.constant 1 : index
    %swap3A_54 = arith.constant 0 : index
    %swap3A_55 = vector.load %arg6[%swap3A_53, %swap3A_54] : memref<32x128xf32, #tpu.memory_space<vmem>>, vector<1x128xf32>
    tpu.vector_store %arg6[%swap3A_53, %swap3A_54], %select_n3A_52 {strides = array<i32>} : memref<32x128xf32, #tpu.memory_space<vmem>>, vector<1x128xf32>,
    %get3A_56 = arith.constant 0 : index
    %get3A_57 = arith.constant 0 : index
    %get3A_58 = vector.load %arg4[%get3A_56, %get3A_57] : memref<64x1xf32, #tpu.memory_space<vmem>>, vector<64x1xf32>
    %slice3A_59 = vector.extract_strided_slice %tanh3A {offsets = [0, 256], sizes = [64, 128], strides = [1, 1]} : vector<64x4096xf32> to vector<64x128xf32>
    %dot_general3A_60 = arith.constant dense<0.000000e+00> : vector<1x128xf32>
    %dot_general3A_61 = tpu.matmul %get3A_58, %slice3A_59, %dot_general3A_60 {dimension_numbers = #tpu.dot_dimension_numbers<[0], [0], [1], [1], [0, 1, 1, 1], [], []>, transpose_lhs_hint = false} : vector<64x1xf32>, vector<64x128xf32>, vector<1x128xf32> -> vector<1x128xf32>
    %get3A_62 = arith.constant 0 : index
    %get3A_63 = arith.constant 0 : index
    %get3A_64 = vector.load %arg5[%get3A_62, %get3A_63] : memref<1x1xf32, #tpu.memory_space<vmem>>, vector<1x1xf32>
    %add3A_65 = vector.broadcast %get3A_64 : vector<1x1xf32> to vector<1x128xf32>
    %add3A_66 = arith.addf %dot_general3A_61, %add3A_65 : vector<1x128xf32>
    %mul3A_67 = arith.constant 4096 : i32
    %mul3A_68 = arith.muli %arg0, %mul3A_67 : i32
    %add3A_69 = arith.constant 256 : i32
    %add3A_70 = arith.addi %mul3A_68, %add3A_69 : i32
    %iota3A_71 = tpu.iota {dimensions = array<i32: 1>} : vector<1x128xi32>
    %add3A_72 = vector.broadcast %add3A_70 : i32 to vector<1x128xi32>
    %add3A_73 = arith.addi %add3A_72, %iota3A_71 : vector<1x128xi32>
    %lt3A_74 = arith.constant 100000 : i32
    %lt3A_75 = vector.broadcast %lt3A_74 : i32 to vector<1x128xi32>
    %lt3A_76 = arith.cmpi slt, %add3A_73, %lt3A_75 : vector<1x128xi32>
    %jit3A_77 = arith.constant -3.000000e+38 : f32
    %broadcast_in_dim3A_78 = vector.broadcast %jit3A_77 : f32 to vector<1x128xf32>
    %select_n3A_79 = arith.select %lt3A_76, %add3A_66, %broadcast_in_dim3A_78 : vector<1x128xi1>, vector<1x128xf32>
    %swap3A_80 = arith.constant 2 : index
    %swap3A_81 = arith.constant 0 : index
    %swap3A_82 = vector.load %arg6[%swap3A_80, %swap3A_81] : memref<32x128xf32, #tpu.memory_space<vmem>>, vector<1x128xf32>
    tpu.vector_store %arg6[%swap3A_80, %swap3A_81], %select_n3A_79 {strides = array<i32>} : memref<32x128xf32, #tpu.memory_space<vmem>>, vector<1x128xf32>,
    %get3A_83 = arith.constant 0 : index
    %get3A_84 = arith.constant 0 : index
    %get3A_85 = vector.load %arg4[%get3A_83, %get3A_84] : memref<64x1xf32, #tpu.memory_space<vmem>>, vector<64x1xf32>
    %slice3A_86 = vector.extract_strided_slice %tanh3A {offsets = [0, 384], sizes = [64, 128], strides = [1, 1]} : vector<64x4096xf32> to vector<64x128xf32>
    %dot_general3A_87 = arith.constant dense<0.000000e+00> : vector<1x128xf32>
    %dot_general3A_88 = tpu.matmul %get3A_85, %slice3A_86, %dot_general3A_87 {dimension_numbers = #tpu.dot_dimension_numbers<[0], [0], [1], [1], [0, 1, 1, 1], [], []>, transpose_lhs_hint = false} : vector<64x1xf32>, vector<64x128xf32>, vector<1x128xf32> -> vector<1x128xf32>
    %get3A_89 = arith.constant 0 : index
    %get3A_90 = arith.constant 0 : index
    %get3A_91 = vector.load %arg5[%get3A_89, %get3A_90] : memref<1x1xf32, #tpu.memory_space<vmem>>, vector<1x1xf32>
    %add3A_92 = vector.broadcast %get3A_91 : vector<1x1xf32> to vector<1x128xf32>
    %add3A_93 = arith.addf %dot_general3A_88, %add3A_92 : vector<1x128xf32>
    %mul3A_94 = arith.constant 4096 : i32
    %mul3A_95 = arith.muli %arg0, %mul3A_94 : i32
    %add3A_96 = arith.constant 384 : i32
    %add3A_97 = arith.addi %mul3A_95, %add3A_96 : i32
    %iota3A_98 = tpu.iota {dimensions = array<i32: 1>} : vector<1x128xi32>
    %add3A_99 = vector.broadcast %add3A_97 : i32 to vector<1x128xi32>
    %add3A_100 = arith.addi %add3A_99, %iota3A_98 : vector<1x128xi32>
    %lt3A_101 = arith.constant 100000 : i32
    %lt3A_102 = vector.broadcast %lt3A_101 : i32 to vector<1x128xi32>
    %lt3A_103 = arith.cmpi slt, %add3A_100, %lt3A_102 : vector<1x128xi32>
    %jit3A_104 = arith.constant -3.000000e+38 : f32
    %broadcast_in_dim3A_105 = vector.broadcast %jit3A_104 : f32 to vector<1x128xf32>
    %select_n3A_106 = arith.select %lt3A_103, %add3A_93, %broadcast_in_dim3A_105 : vector<1x128xi1>, vector<1x128xf32>
    %swap3A_107 = arith.constant 3 : index
    %swap3A_108 = arith.constant 0 : index
    %swap3A_109 = vector.load %arg6[%swap3A_107, %swap3A_108] : memref<32x128xf32, #tpu.memory_space<vmem>>, vector<1x128xf32>
    tpu.vector_store %arg6[%swap3A_107, %swap3A_108], %select_n3A_106 {strides = array<i32>} : memref<32x128xf32, #tpu.memory_space<vmem>>, vector<1x128xf32>,
    %get3A_110 = arith.constant 0 : index
    %get3A_111 = arith.constant 0 : index
    %get3A_112 = vector.load %arg4[%get3A_110, %get3A_111] : memref<64x1xf32, #tpu.memory_space<vmem>>, vector<64x1xf32>
    %slice3A_113 = vector.extract_strided_slice %tanh3A {offsets = [0, 512], sizes = [64, 128], strides = [1, 1]} : vector<64x4096xf32> to vector<64x128xf32>
    %dot_general3A_114 = arith.constant dense<0.000000e+00> : vector<1x128xf32>
    %dot_general3A_115 = tpu.matmul %get3A_112, %slice3A_113, %dot_general3A_114 {dimension_numbers = #tpu.dot_dimension_numbers<[0], [0], [1], [1], [0, 1, 1, 1], [], []>, transpose_lhs_hint = false} : vector<64x1xf32>, vector<64x128xf32>, vector<1x128xf32> -> vector<1x128xf32>
    %get3A_116 = arith.constant 0 : index
    %get3A_117 = arith.constant 0 : index
    %get3A_118 = vector.load %arg5[%get3A_116, %get3A_117] : memref<1x1xf32, #tpu.memory_space<vmem>>, vector<1x1xf32>
    %add3A_119 = vector.broadcast %get3A_118 : vector<1x1xf32> to vector<1x128xf32>
    %add3A_120 = arith.addf %dot_general3A_115, %add3A_119 : vector<1x128xf32>
    %mul3A_121 = arith.constant 4096 : i32
    %mul3A_122 = arith.muli %arg0, %mul3A_121 : i32
    %add3A_123 = arith.constant 512 : i32
    %add3A_124 = arith.addi %mul3A_122, %add3A_123 : i32
    %iota3A_125 = tpu.iota {dimensions = array<i32: 1>} : vector<1x128xi32>
    %add3A_126 = vector.broadcast %add3A_124 : i32 to vector<1x128xi32>
    %add3A_127 = arith.addi %add3A_126, %iota3A_125 : vector<1x128xi32>
    %lt3A_128 = arith.constant 100000 : i32
    %lt3A_129 = vector.broadcast %lt3A_128 : i32 to vector<1x128xi32>
    %lt3A_130 = arith.cmpi slt, %add3A_127, %lt3A_129 : vector<1x128xi32>
    %jit3A_131 = arith.constant -3.000000e+38 : f32
    %broadcast_in_dim3A_132 = vector.broadcast %jit3A_131 : f32 to vector<1x128xf32>
    %select_n3A_133 = arith.select %lt3A_130, %add3A_120, %broadcast_in_dim3A_132 : vector<1x128xi1>, vector<1x128xf32>
    %swap3A_134 = arith.constant 4 : index
    %swap3A_135 = arith.constant 0 : index
    %swap3A_136 = vector.load %arg6[%swap3A_134, %swap3A_135] : memref<32x128xf32, #tpu.memory_space<vmem>>, vector<1x128xf32>
    tpu.vector_store %arg6[%swap3A_134, %swap3A_135], %select_n3A_133 {strides = array<i32>} : memref<32x128xf32, #tpu.memory_space<vmem>>, vector<1x128xf32>,
    %get3A_137 = arith.constant 0 : index
    %get3A_138 = arith.constant 0 : index
    %get3A_139 = vector.load %arg4[%get3A_137, %get3A_138] : memref<64x1xf32, #tpu.memory_space<vmem>>, vector<64x1xf32>
    %slice3A_140 = vector.extract_strided_slice %tanh3A {offsets = [0, 640], sizes = [64, 128], strides = [1, 1]} : vector<64x4096xf32> to vector<64x128xf32>
    %dot_general3A_141 = arith.constant dense<0.000000e+00> : vector<1x128xf32>
    %dot_general3A_142 = tpu.matmul %get3A_139, %slice3A_140, %dot_general3A_141 {dimension_numbers = #tpu.dot_dimension_numbers<[0], [0], [1], [1], [0, 1, 1, 1], [], []>, transpose_lhs_hint = false} : vector<64x1xf32>, vector<64x128xf32>, vector<1x128xf32> -> vector<1x128xf32>
    %get3A_143 = arith.constant 0 : index
    %get3A_144 = arith.constant 0 : index
    %get3A_145 = vector.load %arg5[%get3A_143, %get3A_144] : memref<1x1xf32, #tpu.memory_space<vmem>>, vector<1x1xf32>
    %add3A_146 = vector.broadcast %get3A_145 : vector<1x1xf32> to vector<1x128xf32>
    %add3A_147 = arith.addf %dot_general3A_142, %add3A_146 : vector<1x128xf32>
    %mul3A_148 = arith.constant 4096 : i32
    %mul3A_149 = arith.muli %arg0, %mul3A_148 : i32
    %add3A_150 = arith.constant 640 : i32
    %add3A_151 = arith.addi %mul3A_149, %add3A_150 : i32
    %iota3A_152 = tpu.iota {dimensions = array<i32: 1>} : vector<1x128xi32>
    %add3A_153 = vector.broadcast %add3A_151 : i32 to vector<1x128xi32>
    %add3A_154 = arith.addi %add3A_153, %iota3A_152 : vector<1x128xi32>
    %lt3A_155 = arith.constant 100000 : i32
    %lt3A_156 = vector.broadcast %lt3A_155 : i32 to vector<1x128xi32>
    %lt3A_157 = arith.cmpi slt, %add3A_154, %lt3A_156 : vector<1x128xi32>
    %jit3A_158 = arith.constant -3.000000e+38 : f32
    %broadcast_in_dim3A_159 = vector.broadcast %jit3A_158 : f32 to vector<1x128xf32>
    %select_n3A_160 = arith.select %lt3A_157, %add3A_147, %broadcast_in_dim3A_159 : vector<1x128xi1>, vector<1x128xf32>
    %swap3A_161 = arith.constant 5 : index
    %swap3A_162 = arith.constant 0 : index
    %swap3A_163 = vector.load %arg6[%swap3A_161, %swap3A_162] : memref<32x128xf32, #tpu.memory_space<vmem>>, vector<1x128xf32>
    tpu.vector_store %arg6[%swap3A_161, %swap3A_162], %select_n3A_160 {strides = array<i32>} : memref<32x128xf32, #tpu.memory_space<vmem>>, vector<1x128xf32>,
    %get3A_164 = arith.constant 0 : index
    %get3A_165 = arith.constant 0 : index
    %get3A_166 = vector.load %arg4[%get3A_164, %get3A_165] : memref<64x1xf32, #tpu.memory_space<vmem>>, vector<64x1xf32>
    %slice3A_167 = vector.extract_strided_slice %tanh3A {offsets = [0, 768], sizes = [64, 128], strides = [1, 1]} : vector<64x4096xf32> to vector<64x128xf32>
    %dot_general3A_168 = arith.constant dense<0.000000e+00> : vector<1x128xf32>
    %dot_general3A_169 = tpu.matmul %get3A_166, %slice3A_167, %dot_general3A_168 {dimension_numbers = #tpu.dot_dimension_numbers<[0], [0], [1], [1], [0, 1, 1, 1], [], []>, transpose_lhs_hint = false} : vector<64x1xf32>, vector<64x128xf32>, vector<1x128xf32> -> vector<1x128xf32>
    %get3A_170 = arith.constant 0 : index
    %get3A_171 = arith.constant 0 : index
    %get3A_172 = vector.load %arg5[%get3A_170, %get3A_171] : memref<1x1xf32, #tpu.memory_space<vmem>>, vector<1x1xf32>
    %add3A_173 = vector.broadcast %get3A_172 : vector<1x1xf32> to vector<1x128xf32>
    %add3A_174 = arith.addf %dot_general3A_169, %add3A_173 : vector<1x128xf32>
    %mul3A_175 = arith.constant 4096 : i32
    %mul3A_176 = arith.muli %arg0, %mul3A_175 : i32
    %add3A_177 = arith.constant 768 : i32
    %add3A_178 = arith.addi %mul3A_176, %add3A_177 : i32
    %iota3A_179 = tpu.iota {dimensions = array<i32: 1>} : vector<1x128xi32>
    %add3A_180 = vector.broadcast %add3A_178 : i32 to vector<1x128xi32>
    %add3A_181 = arith.addi %add3A_180, %iota3A_179 : vector<1x128xi32>
    %lt3A_182 = arith.constant 100000 : i32
    %lt3A_183 = vector.broadcast %lt3A_182 : i32 to vector<1x128xi32>
    %lt3A_184 = arith.cmpi slt, %add3A_181, %lt3A_183 : vector<1x128xi32>
    %jit3A_185 = arith.constant -3.000000e+38 : f32
    %broadcast_in_dim3A_186 = vector.broadcast %jit3A_185 : f32 to vector<1x128xf32>
    %select_n3A_187 = arith.select %lt3A_184, %add3A_174, %broadcast_in_dim3A_186 : vector<1x128xi1>, vector<1x128xf32>
    %swap3A_188 = arith.constant 6 : index
    %swap3A_189 = arith.constant 0 : index
    %swap3A_190 = vector.load %arg6[%swap3A_188, %swap3A_189] : memref<32x128xf32, #tpu.memory_space<vmem>>, vector<1x128xf32>
    tpu.vector_store %arg6[%swap3A_188, %swap3A_189], %select_n3A_187 {strides = array<i32>} : memref<32x128xf32, #tpu.memory_space<vmem>>, vector<1x128xf32>,
    %get3A_191 = arith.constant 0 : index
    %get3A_192 = arith.constant 0 : index
    %get3A_193 = vector.load %arg4[%get3A_191, %get3A_192] : memref<64x1xf32, #tpu.memory_space<vmem>>, vector<64x1xf32>
    %slice3A_194 = vector.extract_strided_slice %tanh3A {offsets = [0, 896], sizes = [64, 128], strides = [1, 1]} : vector<64x4096xf32> to vector<64x128xf32>
    %dot_general3A_195 = arith.constant dense<0.000000e+00> : vector<1x128xf32>
    %dot_general3A_196 = tpu.matmul %get3A_193, %slice3A_194, %dot_general3A_195 {dimension_numbers = #tpu.dot_dimension_numbers<[0], [0], [1], [1], [0, 1, 1, 1], [], []>, transpose_lhs_hint = false} : vector<64x1xf32>, vector<64x128xf32>, vector<1x128xf32> -> vector<1x128xf32>
    %get3A_197 = arith.constant 0 : index
    %get3A_198 = arith.constant 0 : index
    %get3A_199 = vector.load %arg5[%get3A_197, %get3A_198] : memref<1x1xf32, #tpu.memory_space<vmem>>, vector<1x1xf32>
    %add3A_200 = vector.broadcast %get3A_199 : vector<1x1xf32> to vector<1x128xf32>
    %add3A_201 = arith.addf %dot_general3A_196, %add3A_200 : vector<1x128xf32>
    %mul3A_202 = arith.constant 4096 : i32
    %mul3A_203 = arith.muli %arg0, %mul3A_202 : i32
    %add3A_204 = arith.constant 896 : i32
    %add3A_205 = arith.addi %mul3A_203, %add3A_204 : i32
    %iota3A_206 = tpu.iota {dimensions = array<i32: 1>} : vector<1x128xi32>
    %add3A_207 = vector.broadcast %add3A_205 : i32 to vector<1x128xi32>
    %add3A_208 = arith.addi %add3A_207, %iota3A_206 : vector<1x128xi32>
    %lt3A_209 = arith.constant 100000 : i32
    %lt3A_210 = vector.broadcast %lt3A_209 : i32 to vector<1x128xi32>
    %lt3A_211 = arith.cmpi slt, %add3A_208, %lt3A_210 : vector<1x128xi32>
    %jit3A_212 = arith.constant -3.000000e+38 : f32
    %broadcast_in_dim3A_213 = vector.broadcast %jit3A_212 : f32 to vector<1x128xf32>
    %select_n3A_214 = arith.select %lt3A_211, %add3A_201, %broadcast_in_dim3A_213 : vector<1x128xi1>, vector<1x128xf32>
    %swap3A_215 = arith.constant 7 : index
    %swap3A_216 = arith.constant 0 : index
    %swap3A_217 = vector.load %arg6[%swap3A_215, %swap3A_216] : memref<32x128xf32, #tpu.memory_space<vmem>>, vector<1x128xf32>
    tpu.vector_store %arg6[%swap3A_215, %swap3A_216], %select_n3A_214 {strides = array<i32>} : memref<32x128xf32, #tpu.memory_space<vmem>>, vector<1x128xf32>,
    %get3A_218 = arith.constant 0 : index
    %get3A_219 = arith.constant 0 : index
    %get3A_220 = vector.load %arg4[%get3A_218, %get3A_219] : memref<64x1xf32, #tpu.memory_space<vmem>>, vector<64x1xf32>
    %slice3A_221 = vector.extract_strided_slice %tanh3A {offsets = [0, 1024], sizes = [64, 128], strides = [1, 1]} : vector<64x4096xf32> to vector<64x128xf32>
    %dot_general3A_222 = arith.constant dense<0.000000e+00> : vector<1x128xf32>
    %dot_general3A_223 = tpu.matmul %get3A_220, %slice3A_221, %dot_general3A_222 {dimension_numbers = #tpu.dot_dimension_numbers<[0], [0], [1], [1], [0, 1, 1, 1], [], []>, transpose_lhs_hint = false} : vector<64x1xf32>, vector<64x128xf32>, vector<1x128xf32> -> vector<1x128xf32>
    %get3A_224 = arith.constant 0 : index
    %get3A_225 = arith.constant 0 : index
    %get3A_226 = vector.load %arg5[%get3A_224, %get3A_225] : memref<1x1xf32, #tpu.memory_space<vmem>>, vector<1x1xf32>
    %add3A_227 = vector.broadcast %get3A_226 : vector<1x1xf32> to vector<1x128xf32>
    %add3A_228 = arith.addf %dot_general3A_223, %add3A_227 : vector<1x128xf32>
    %mul3A_229 = arith.constant 4096 : i32
    %mul3A_230 = arith.muli %arg0, %mul3A_229 : i32
    %add3A_231 = arith.constant 1024 : i32
    %add3A_232 = arith.addi %mul3A_230, %add3A_231 : i32
    %iota3A_233 = tpu.iota {dimensions = array<i32: 1>} : vector<1x128xi32>
    %add3A_234 = vector.broadcast %add3A_232 : i32 to vector<1x128xi32>
    %add3A_235 = arith.addi %add3A_234, %iota3A_233 : vector<1x128xi32>
    %lt3A_236 = arith.constant 100000 : i32
    %lt3A_237 = vector.broadcast %lt3A_236 : i32 to vector<1x128xi32>
    %lt3A_238 = arith.cmpi slt, %add3A_235, %lt3A_237 : vector<1x128xi32>
    %jit3A_239 = arith.constant -3.000000e+38 : f32
    %broadcast_in_dim3A_240 = vector.broadcast %jit3A_239 : f32 to vector<1x128xf32>
    %select_n3A_241 = arith.select %lt3A_238, %add3A_228, %broadcast_in_dim3A_240 : vector<1x128xi1>, vector<1x128xf32>
    %swap3A_242 = arith.constant 8 : index
    %swap3A_243 = arith.constant 0 : index
    %swap3A_244 = vector.load %arg6[%swap3A_242, %swap3A_243] : memref<32x128xf32, #tpu.memory_space<vmem>>, vector<1x128xf32>
    tpu.vector_store %arg6[%swap3A_242, %swap3A_243], %select_n3A_241 {strides = array<i32>} : memref<32x128xf32, #tpu.memory_space<vmem>>, vector<1x128xf32>,
    %get3A_245 = arith.constant 0 : index
    %get3A_246 = arith.constant 0 : index
    %get3A_247 = vector.load %arg4[%get3A_245, %get3A_246] : memref<64x1xf32, #tpu.memory_space<vmem>>, vector<64x1xf32>
    %slice3A_248 = vector.extract_strided_slice %tanh3A {offsets = [0, 1152], sizes = [64, 128], strides = [1, 1]} : vector<64x4096xf32> to vector<64x128xf32>
    %dot_general3A_249 = arith.constant dense<0.000000e+00> : vector<1x128xf32>
    %dot_general3A_250 = tpu.matmul %get3A_247, %slice3A_248, %dot_general3A_249 {dimension_numbers = #tpu.dot_dimension_numbers<[0], [0], [1], [1], [0, 1, 1, 1], [], []>, transpose_lhs_hint = false} : vector<64x1xf32>, vector<64x128xf32>, vector<1x128xf32> -> vector<1x128xf32>
    %get3A_251 = arith.constant 0 : index
    %get3A_252 = arith.constant 0 : index
    %get3A_253 = vector.load %arg5[%get3A_251, %get3A_252] : memref<1x1xf32, #tpu.memory_space<vmem>>, vector<1x1xf32>
    %add3A_254 = vector.broadcast %get3A_253 : vector<1x1xf32> to vector<1x128xf32>
    %add3A_255 = arith.addf %dot_general3A_250, %add3A_254 : vector<1x128xf32>
    %mul3A_256 = arith.constant 4096 : i32
    %mul3A_257 = arith.muli %arg0, %mul3A_256 : i32
    %add3A_258 = arith.constant 1152 : i32
    %add3A_259 = arith.addi %mul3A_257, %add3A_258 : i32
    %iota3A_260 = tpu.iota {dimensions = array<i32: 1>} : vector<1x128xi32>
    %add3A_261 = vector.broadcast %add3A_259 : i32 to vector<1x128xi32>
    %add3A_262 = arith.addi %add3A_261, %iota3A_260 : vector<1x128xi32>
    %lt3A_263 = arith.constant 100000 : i32
    %lt3A_264 = vector.broadcast %lt3A_263 : i32 to vector<1x128xi32>
    %lt3A_265 = arith.cmpi slt, %add3A_262, %lt3A_264 : vector<1x128xi32>
    %jit3A_266 = arith.constant -3.000000e+38 : f32
    %broadcast_in_dim3A_267 = vector.broadcast %jit3A_266 : f32 to vector<1x128xf32>
    %select_n3A_268 = arith.select %lt3A_265, %add3A_255, %broadcast_in_dim3A_267 : vector<1x128xi1>, vector<1x128xf32>
    %swap3A_269 = arith.constant 9 : index
    %swap3A_270 = arith.constant 0 : index
    %swap3A_271 = vector.load %arg6[%swap3A_269, %swap3A_270] : memref<32x128xf32, #tpu.memory_space<vmem>>, vector<1x128xf32>
    tpu.vector_store %arg6[%swap3A_269, %swap3A_270], %select_n3A_268 {strides = array<i32>} : memref<32x128xf32, #tpu.memory_space<vmem>>, vector<1x128xf32>,
    %get3A_272 = arith.constant 0 : index
    %get3A_273 = arith.constant 0 : index
    %get3A_274 = vector.load %arg4[%get3A_272, %get3A_273] : memref<64x1xf32, #tpu.memory_space<vmem>>, vector<64x1xf32>
    %slice3A_275 = vector.extract_strided_slice %tanh3A {offsets = [0, 1280], sizes = [64, 128], strides = [1, 1]} : vector<64x4096xf32> to vector<64x128xf32>
    %dot_general3A_276 = arith.constant dense<0.000000e+00> : vector<1x128xf32>
    %dot_general3A_277 = tpu.matmul %get3A_274, %slice3A_275, %dot_general3A_276 {dimension_numbers = #tpu.dot_dimension_numbers<[0], [0], [1], [1], [0, 1, 1, 1], [], []>, transpose_lhs_hint = false} : vector<64x1xf32>, vector<64x128xf32>, vector<1x128xf32> -> vector<1x128xf32>
    %get3A_278 = arith.constant 0 : index
    %get3A_279 = arith.constant 0 : index
    %get3A_280 = vector.load %arg5[%get3A_278, %get3A_279] : memref<1x1xf32, #tpu.memory_space<vmem>>, vector<1x1xf32>
    %add3A_281 = vector.broadcast %get3A_280 : vector<1x1xf32> to vector<1x128xf32>
    %add3A_282 = arith.addf %dot_general3A_277, %add3A_281 : vector<1x128xf32>
    %mul3A_283 = arith.constant 4096 : i32
    %mul3A_284 = arith.muli %arg0, %mul3A_283 : i32
    %add3A_285 = arith.constant 1280 : i32
    %add3A_286 = arith.addi %mul3A_284, %add3A_285 : i32
    %iota3A_287 = tpu.iota {dimensions = array<i32: 1>} : vector<1x128xi32>
    %add3A_288 = vector.broadcast %add3A_286 : i32 to vector<1x128xi32>
    %add3A_289 = arith.addi %add3A_288, %iota3A_287 : vector<1x128xi32>
    %lt3A_290 = arith.constant 100000 : i32
    %lt3A_291 = vector.broadcast %lt3A_290 : i32 to vector<1x128xi32>
    %lt3A_292 = arith.cmpi slt, %add3A_289, %lt3A_291 : vector<1x128xi32>
    %jit3A_293 = arith.constant -3.000000e+38 : f32
    %broadcast_in_dim3A_294 = vector.broadcast %jit3A_293 : f32 to vector<1x128xf32>
    %select_n3A_295 = arith.select %lt3A_292, %add3A_282, %broadcast_in_dim3A_294 : vector<1x128xi1>, vector<1x128xf32>
    %swap3A_296 = arith.constant 10 : index
    %swap3A_297 = arith.constant 0 : index
    %swap3A_298 = vector.load %arg6[%swap3A_296, %swap3A_297] : memref<32x128xf32, #tpu.memory_space<vmem>>, vector<1x128xf32>
    tpu.vector_store %arg6[%swap3A_296, %swap3A_297], %select_n3A_295 {strides = array<i32>} : memref<32x128xf32, #tpu.memory_space<vmem>>, vector<1x128xf32>,
    %get3A_299 = arith.constant 0 : index
    %get3A_300 = arith.constant 0 : index
    %get3A_301 = vector.load %arg4[%get3A_299, %get3A_300] : memref<64x1xf32, #tpu.memory_space<vmem>>, vector<64x1xf32>
    %slice3A_302 = vector.extract_strided_slice %tanh3A {offsets = [0, 1408], sizes = [64, 128], strides = [1, 1]} : vector<64x4096xf32> to vector<64x128xf32>
    %dot_general3A_303 = arith.constant dense<0.000000e+00> : vector<1x128xf32>
    %dot_general3A_304 = tpu.matmul %get3A_301, %slice3A_302, %dot_general3A_303 {dimension_numbers = #tpu.dot_dimension_numbers<[0], [0], [1], [1], [0, 1, 1, 1], [], []>, transpose_lhs_hint = false} : vector<64x1xf32>, vector<64x128xf32>, vector<1x128xf32> -> vector<1x128xf32>
    %get3A_305 = arith.constant 0 : index
    %get3A_306 = arith.constant 0 : index
    %get3A_307 = vector.load %arg5[%get3A_305, %get3A_306] : memref<1x1xf32, #tpu.memory_space<vmem>>, vector<1x1xf32>
    %add3A_308 = vector.broadcast %get3A_307 : vector<1x1xf32> to vector<1x128xf32>
    %add3A_309 = arith.addf %dot_general3A_304, %add3A_308 : vector<1x128xf32>
    %mul3A_310 = arith.constant 4096 : i32
    %mul3A_311 = arith.muli %arg0, %mul3A_310 : i32
    %add3A_312 = arith.constant 1408 : i32
    %add3A_313 = arith.addi %mul3A_311, %add3A_312 : i32
    %iota3A_314 = tpu.iota {dimensions = array<i32: 1>} : vector<1x128xi32>
    %add3A_315 = vector.broadcast %add3A_313 : i32 to vector<1x128xi32>
    %add3A_316 = arith.addi %add3A_315, %iota3A_314 : vector<1x128xi32>
    %lt3A_317 = arith.constant 100000 : i32
    %lt3A_318 = vector.broadcast %lt3A_317 : i32 to vector<1x128xi32>
    %lt3A_319 = arith.cmpi slt, %add3A_316, %lt3A_318 : vector<1x128xi32>
    %jit3A_320 = arith.constant -3.000000e+38 : f32
    %broadcast_in_dim3A_321 = vector.broadcast %jit3A_320 : f32 to vector<1x128xf32>
    %select_n3A_322 = arith.select %lt3A_319, %add3A_309, %broadcast_in_dim3A_321 : vector<1x128xi1>, vector<1x128xf32>
    %swap3A_323 = arith.constant 11 : index
    %swap3A_324 = arith.constant 0 : index
    %swap3A_325 = vector.load %arg6[%swap3A_323, %swap3A_324] : memref<32x128xf32, #tpu.memory_space<vmem>>, vector<1x128xf32>
    tpu.vector_store %arg6[%swap3A_323, %swap3A_324], %select_n3A_322 {strides = array<i32>} : memref<32x128xf32, #tpu.memory_space<vmem>>, vector<1x128xf32>,
    %get3A_326 = arith.constant 0 : index
    %get3A_327 = arith.constant 0 : index
    %get3A_328 = vector.load %arg4[%get3A_326, %get3A_327] : memref<64x1xf32, #tpu.memory_space<vmem>>, vector<64x1xf32>
    %slice3A_329 = vector.extract_strided_slice %tanh3A {offsets = [0, 1536], sizes = [64, 128], strides = [1, 1]} : vector<64x4096xf32> to vector<64x128xf32>
    %dot_general3A_330 = arith.constant dense<0.000000e+00> : vector<1x128xf32>
    %dot_general3A_331 = tpu.matmul %get3A_328, %slice3A_329, %dot_general3A_330 {dimension_numbers = #tpu.dot_dimension_numbers<[0], [0], [1], [1], [0, 1, 1, 1], [], []>, transpose_lhs_hint = false} : vector<64x1xf32>, vector<64x128xf32>, vector<1x128xf32> -> vector<1x128xf32>
    %get3A_332 = arith.constant 0 : index
    %get3A_333 = arith.constant 0 : index
    %get3A_334 = vector.load %arg5[%get3A_332, %get3A_333] : memref<1x1xf32, #tpu.memory_space<vmem>>, vector<1x1xf32>
    %add3A_335 = vector.broadcast %get3A_334 : vector<1x1xf32> to vector<1x128xf32>
    %add3A_336 = arith.addf %dot_general3A_331, %add3A_335 : vector<1x128xf32>
    %mul3A_337 = arith.constant 4096 : i32
    %mul3A_338 = arith.muli %arg0, %mul3A_337 : i32
    %add3A_339 = arith.constant 1536 : i32
    %add3A_340 = arith.addi %mul3A_338, %add3A_339 : i32
    %iota3A_341 = tpu.iota {dimensions = array<i32: 1>} : vector<1x128xi32>
    %add3A_342 = vector.broadcast %add3A_340 : i32 to vector<1x128xi32>
    %add3A_343 = arith.addi %add3A_342, %iota3A_341 : vector<1x128xi32>
    %lt3A_344 = arith.constant 100000 : i32
    %lt3A_345 = vector.broadcast %lt3A_344 : i32 to vector<1x128xi32>
    %lt3A_346 = arith.cmpi slt, %add3A_343, %lt3A_345 : vector<1x128xi32>
    %jit3A_347 = arith.constant -3.000000e+38 : f32
    %broadcast_in_dim3A_348 = vector.broadcast %jit3A_347 : f32 to vector<1x128xf32>
    %select_n3A_349 = arith.select %lt3A_346, %add3A_336, %broadcast_in_dim3A_348 : vector<1x128xi1>, vector<1x128xf32>
    %swap3A_350 = arith.constant 12 : index
    %swap3A_351 = arith.constant 0 : index
    %swap3A_352 = vector.load %arg6[%swap3A_350, %swap3A_351] : memref<32x128xf32, #tpu.memory_space<vmem>>, vector<1x128xf32>
    tpu.vector_store %arg6[%swap3A_350, %swap3A_351], %select_n3A_349 {strides = array<i32>} : memref<32x128xf32, #tpu.memory_space<vmem>>, vector<1x128xf32>,
    %get3A_353 = arith.constant 0 : index
    %get3A_354 = arith.constant 0 : index
    %get3A_355 = vector.load %arg4[%get3A_353, %get3A_354] : memref<64x1xf32, #tpu.memory_space<vmem>>, vector<64x1xf32>
    %slice3A_356 = vector.extract_strided_slice %tanh3A {offsets = [0, 1664], sizes = [64, 128], strides = [1, 1]} : vector<64x4096xf32> to vector<64x128xf32>
    %dot_general3A_357 = arith.constant dense<0.000000e+00> : vector<1x128xf32>
    %dot_general3A_358 = tpu.matmul %get3A_355, %slice3A_356, %dot_general3A_357 {dimension_numbers = #tpu.dot_dimension_numbers<[0], [0], [1], [1], [0, 1, 1, 1], [], []>, transpose_lhs_hint = false} : vector<64x1xf32>, vector<64x128xf32>, vector<1x128xf32> -> vector<1x128xf32>
    %get3A_359 = arith.constant 0 : index
    %get3A_360 = arith.constant 0 : index
    %get3A_361 = vector.load %arg5[%get3A_359, %get3A_360] : memref<1x1xf32, #tpu.memory_space<vmem>>, vector<1x1xf32>
    %add3A_362 = vector.broadcast %get3A_361 : vector<1x1xf32> to vector<1x128xf32>
    %add3A_363 = arith.addf %dot_general3A_358, %add3A_362 : vector<1x128xf32>
    %mul3A_364 = arith.constant 4096 : i32
    %mul3A_365 = arith.muli %arg0, %mul3A_364 : i32
    %add3A_366 = arith.constant 1664 : i32
    %add3A_367 = arith.addi %mul3A_365, %add3A_366 : i32
    %iota3A_368 = tpu.iota {dimensions = array<i32: 1>} : vector<1x128xi32>
    %add3A_369 = vector.broadcast %add3A_367 : i32 to vector<1x128xi32>
    %add3A_370 = arith.addi %add3A_369, %iota3A_368 : vector<1x128xi32>
    %lt3A_371 = arith.constant 100000 : i32
    %lt3A_372 = vector.broadcast %lt3A_371 : i32 to vector<1x128xi32>
    %lt3A_373 = arith.cmpi slt, %add3A_370, %lt3A_372 : vector<1x128xi32>
    %jit3A_374 = arith.constant -3.000000e+38 : f32
    %broadcast_in_dim3A_375 = vector.broadcast %jit3A_374 : f32 to vector<1x128xf32>
    %select_n3A_376 = arith.select %lt3A_373, %add3A_363, %broadcast_in_dim3A_375 : vector<1x128xi1>, vector<1x128xf32>
    %swap3A_377 = arith.constant 13 : index
    %swap3A_378 = arith.constant 0 : index
    %swap3A_379 = vector.load %arg6[%swap3A_377, %swap3A_378] : memref<32x128xf32, #tpu.memory_space<vmem>>, vector<1x128xf32>
    tpu.vector_store %arg6[%swap3A_377, %swap3A_378], %select_n3A_376 {strides = array<i32>} : memref<32x128xf32, #tpu.memory_space<vmem>>, vector<1x128xf32>,
    %get3A_380 = arith.constant 0 : index
    %get3A_381 = arith.constant 0 : index
    %get3A_382 = vector.load %arg4[%get3A_380, %get3A_381] : memref<64x1xf32, #tpu.memory_space<vmem>>, vector<64x1xf32>
    %slice3A_383 = vector.extract_strided_slice %tanh3A {offsets = [0, 1792], sizes = [64, 128], strides = [1, 1]} : vector<64x4096xf32> to vector<64x128xf32>
    %dot_general3A_384 = arith.constant dense<0.000000e+00> : vector<1x128xf32>
    %dot_general3A_385 = tpu.matmul %get3A_382, %slice3A_383, %dot_general3A_384 {dimension_numbers = #tpu.dot_dimension_numbers<[0], [0], [1], [1], [0, 1, 1, 1], [], []>, transpose_lhs_hint = false} : vector<64x1xf32>, vector<64x128xf32>, vector<1x128xf32> -> vector<1x128xf32>
    %get3A_386 = arith.constant 0 : index
    %get3A_387 = arith.constant 0 : index
    %get3A_388 = vector.load %arg5[%get3A_386, %get3A_387] : memref<1x1xf32, #tpu.memory_space<vmem>>, vector<1x1xf32>
    %add3A_389 = vector.broadcast %get3A_388 : vector<1x1xf32> to vector<1x128xf32>
    %add3A_390 = arith.addf %dot_general3A_385, %add3A_389 : vector<1x128xf32>
    %mul3A_391 = arith.constant 4096 : i32
    %mul3A_392 = arith.muli %arg0, %mul3A_391 : i32
    %add3A_393 = arith.constant 1792 : i32
    %add3A_394 = arith.addi %mul3A_392, %add3A_393 : i32
    %iota3A_395 = tpu.iota {dimensions = array<i32: 1>} : vector<1x128xi32>
    %add3A_396 = vector.broadcast %add3A_394 : i32 to vector<1x128xi32>
    %add3A_397 = arith.addi %add3A_396, %iota3A_395 : vector<1x128xi32>
    %lt3A_398 = arith.constant 100000 : i32
    %lt3A_399 = vector.broadcast %lt3A_398 : i32 to vector<1x128xi32>
    %lt3A_400 = arith.cmpi slt, %add3A_397, %lt3A_399 : vector<1x128xi32>
    %jit3A_401 = arith.constant -3.000000e+38 : f32
    %broadcast_in_dim3A_402 = vector.broadcast %jit3A_401 : f32 to vector<1x128xf32>
    %select_n3A_403 = arith.select %lt3A_400, %add3A_390, %broadcast_in_dim3A_402 : vector<1x128xi1>, vector<1x128xf32>
    %swap3A_404 = arith.constant 14 : index
    %swap3A_405 = arith.constant 0 : index
    %swap3A_406 = vector.load %arg6[%swap3A_404, %swap3A_405] : memref<32x128xf32, #tpu.memory_space<vmem>>, vector<1x128xf32>
    tpu.vector_store %arg6[%swap3A_404, %swap3A_405], %select_n3A_403 {strides = array<i32>} : memref<32x128xf32, #tpu.memory_space<vmem>>, vector<1x128xf32>,
    %get3A_407 = arith.constant 0 : index
    %get3A_408 = arith.constant 0 : index
    %get3A_409 = vector.load %arg4[%get3A_407, %get3A_408] : memref<64x1xf32, #tpu.memory_space<vmem>>, vector<64x1xf32>
    %slice3A_410 = vector.extract_strided_slice %tanh3A {offsets = [0, 1920], sizes = [64, 128], strides = [1, 1]} : vector<64x4096xf32> to vector<64x128xf32>
    %dot_general3A_411 = arith.constant dense<0.000000e+00> : vector<1x128xf32>
    %dot_general3A_412 = tpu.matmul %get3A_409, %slice3A_410, %dot_general3A_411 {dimension_numbers = #tpu.dot_dimension_numbers<[0], [0], [1], [1], [0, 1, 1, 1], [], []>, transpose_lhs_hint = false} : vector<64x1xf32>, vector<64x128xf32>, vector<1x128xf32> -> vector<1x128xf32>
    %get3A_413 = arith.constant 0 : index
    %get3A_414 = arith.constant 0 : index
    %get3A_415 = vector.load %arg5[%get3A_413, %get3A_414] : memref<1x1xf32, #tpu.memory_space<vmem>>, vector<1x1xf32>
    %add3A_416 = vector.broadcast %get3A_415 : vector<1x1xf32> to vector<1x128xf32>
    %add3A_417 = arith.addf %dot_general3A_412, %add3A_416 : vector<1x128xf32>
    %mul3A_418 = arith.constant 4096 : i32
    %mul3A_419 = arith.muli %arg0, %mul3A_418 : i32
    %add3A_420 = arith.constant 1920 : i32
    %add3A_421 = arith.addi %mul3A_419, %add3A_420 : i32
    %iota3A_422 = tpu.iota {dimensions = array<i32: 1>} : vector<1x128xi32>
    %add3A_423 = vector.broadcast %add3A_421 : i32 to vector<1x128xi32>
    %add3A_424 = arith.addi %add3A_423, %iota3A_422 : vector<1x128xi32>
    %lt3A_425 = arith.constant 100000 : i32
    %lt3A_426 = vector.broadcast %lt3A_425 : i32 to vector<1x128xi32>
    %lt3A_427 = arith.cmpi slt, %add3A_424, %lt3A_426 : vector<1x128xi32>
    %jit3A_428 = arith.constant -3.000000e+38 : f32
    %broadcast_in_dim3A_429 = vector.broadcast %jit3A_428 : f32 to vector<1x128xf32>
    %select_n3A_430 = arith.select %lt3A_427, %add3A_417, %broadcast_in_dim3A_429 : vector<1x128xi1>, vector<1x128xf32>
    %swap3A_431 = arith.constant 15 : index
    %swap3A_432 = arith.constant 0 : index
    %swap3A_433 = vector.load %arg6[%swap3A_431, %swap3A_432] : memref<32x128xf32, #tpu.memory_space<vmem>>, vector<1x128xf32>
    tpu.vector_store %arg6[%swap3A_431, %swap3A_432], %select_n3A_430 {strides = array<i32>} : memref<32x128xf32, #tpu.memory_space<vmem>>, vector<1x128xf32>,
    %get3A_434 = arith.constant 0 : index
    %get3A_435 = arith.constant 0 : index
    %get3A_436 = vector.load %arg4[%get3A_434, %get3A_435] : memref<64x1xf32, #tpu.memory_space<vmem>>, vector<64x1xf32>
    %slice3A_437 = vector.extract_strided_slice %tanh3A {offsets = [0, 2048], sizes = [64, 128], strides = [1, 1]} : vector<64x4096xf32> to vector<64x128xf32>
    %dot_general3A_438 = arith.constant dense<0.000000e+00> : vector<1x128xf32>
    %dot_general3A_439 = tpu.matmul %get3A_436, %slice3A_437, %dot_general3A_438 {dimension_numbers = #tpu.dot_dimension_numbers<[0], [0], [1], [1], [0, 1, 1, 1], [], []>, transpose_lhs_hint = false} : vector<64x1xf32>, vector<64x128xf32>, vector<1x128xf32> -> vector<1x128xf32>
    %get3A_440 = arith.constant 0 : index
    %get3A_441 = arith.constant 0 : index
    %get3A_442 = vector.load %arg5[%get3A_440, %get3A_441] : memref<1x1xf32, #tpu.memory_space<vmem>>, vector<1x1xf32>
    %add3A_443 = vector.broadcast %get3A_442 : vector<1x1xf32> to vector<1x128xf32>
    %add3A_444 = arith.addf %dot_general3A_439, %add3A_443 : vector<1x128xf32>
    %mul3A_445 = arith.constant 4096 : i32
    %mul3A_446 = arith.muli %arg0, %mul3A_445 : i32
    %add3A_447 = arith.constant 2048 : i32
    %add3A_448 = arith.addi %mul3A_446, %add3A_447 : i32
    %iota3A_449 = tpu.iota {dimensions = array<i32: 1>} : vector<1x128xi32>
    %add3A_450 = vector.broadcast %add3A_448 : i32 to vector<1x128xi32>
    %add3A_451 = arith.addi %add3A_450, %iota3A_449 : vector<1x128xi32>
    %lt3A_452 = arith.constant 100000 : i32
    %lt3A_453 = vector.broadcast %lt3A_452 : i32 to vector<1x128xi32>
    %lt3A_454 = arith.cmpi slt, %add3A_451, %lt3A_453 : vector<1x128xi32>
    %jit3A_455 = arith.constant -3.000000e+38 : f32
    %broadcast_in_dim3A_456 = vector.broadcast %jit3A_455 : f32 to vector<1x128xf32>
    %select_n3A_457 = arith.select %lt3A_454, %add3A_444, %broadcast_in_dim3A_456 : vector<1x128xi1>, vector<1x128xf32>
    %swap3A_458 = arith.constant 16 : index
    %swap3A_459 = arith.constant 0 : index
    %swap3A_460 = vector.load %arg6[%swap3A_458, %swap3A_459] : memref<32x128xf32, #tpu.memory_space<vmem>>, vector<1x128xf32>
    tpu.vector_store %arg6[%swap3A_458, %swap3A_459], %select_n3A_457 {strides = array<i32>} : memref<32x128xf32, #tpu.memory_space<vmem>>, vector<1x128xf32>,
    %get3A_461 = arith.constant 0 : index
    %get3A_462 = arith.constant 0 : index
    %get3A_463 = vector.load %arg4[%get3A_461, %get3A_462] : memref<64x1xf32, #tpu.memory_space<vmem>>, vector<64x1xf32>
    %slice3A_464 = vector.extract_strided_slice %tanh3A {offsets = [0, 2176], sizes = [64, 128], strides = [1, 1]} : vector<64x4096xf32> to vector<64x128xf32>
    %dot_general3A_465 = arith.constant dense<0.000000e+00> : vector<1x128xf32>
    %dot_general3A_466 = tpu.matmul %get3A_463, %slice3A_464, %dot_general3A_465 {dimension_numbers = #tpu.dot_dimension_numbers<[0], [0], [1], [1], [0, 1, 1, 1], [], []>, transpose_lhs_hint = false} : vector<64x1xf32>, vector<64x128xf32>, vector<1x128xf32> -> vector<1x128xf32>
    %get3A_467 = arith.constant 0 : index
    %get3A_468 = arith.constant 0 : index
    %get3A_469 = vector.load %arg5[%get3A_467, %get3A_468] : memref<1x1xf32, #tpu.memory_space<vmem>>, vector<1x1xf32>
    %add3A_470 = vector.broadcast %get3A_469 : vector<1x1xf32> to vector<1x128xf32>
    %add3A_471 = arith.addf %dot_general3A_466, %add3A_470 : vector<1x128xf32>
    %mul3A_472 = arith.constant 4096 : i32
    %mul3A_473 = arith.muli %arg0, %mul3A_472 : i32
    %add3A_474 = arith.constant 2176 : i32
    %add3A_475 = arith.addi %mul3A_473, %add3A_474 : i32
    %iota3A_476 = tpu.iota {dimensions = array<i32: 1>} : vector<1x128xi32>
    %add3A_477 = vector.broadcast %add3A_475 : i32 to vector<1x128xi32>
    %add3A_478 = arith.addi %add3A_477, %iota3A_476 : vector<1x128xi32>
    %lt3A_479 = arith.constant 100000 : i32
    %lt3A_480 = vector.broadcast %lt3A_479 : i32 to vector<1x128xi32>
    %lt3A_481 = arith.cmpi slt, %add3A_478, %lt3A_480 : vector<1x128xi32>
    %jit3A_482 = arith.constant -3.000000e+38 : f32
    %broadcast_in_dim3A_483 = vector.broadcast %jit3A_482 : f32 to vector<1x128xf32>
    %select_n3A_484 = arith.select %lt3A_481, %add3A_471, %broadcast_in_dim3A_483 : vector<1x128xi1>, vector<1x128xf32>
    %swap3A_485 = arith.constant 17 : index
    %swap3A_486 = arith.constant 0 : index
    %swap3A_487 = vector.load %arg6[%swap3A_485, %swap3A_486] : memref<32x128xf32, #tpu.memory_space<vmem>>, vector<1x128xf32>
    tpu.vector_store %arg6[%swap3A_485, %swap3A_486], %select_n3A_484 {strides = array<i32>} : memref<32x128xf32, #tpu.memory_space<vmem>>, vector<1x128xf32>,
    %get3A_488 = arith.constant 0 : index
    %get3A_489 = arith.constant 0 : index
    %get3A_490 = vector.load %arg4[%get3A_488, %get3A_489] : memref<64x1xf32, #tpu.memory_space<vmem>>, vector<64x1xf32>
    %slice3A_491 = vector.extract_strided_slice %tanh3A {offsets = [0, 2304], sizes = [64, 128], strides = [1, 1]} : vector<64x4096xf32> to vector<64x128xf32>
    %dot_general3A_492 = arith.constant dense<0.000000e+00> : vector<1x128xf32>
    %dot_general3A_493 = tpu.matmul %get3A_490, %slice3A_491, %dot_general3A_492 {dimension_numbers = #tpu.dot_dimension_numbers<[0], [0], [1], [1], [0, 1, 1, 1], [], []>, transpose_lhs_hint = false} : vector<64x1xf32>, vector<64x128xf32>, vector<1x128xf32> -> vector<1x128xf32>
    %get3A_494 = arith.constant 0 : index
    %get3A_495 = arith.constant 0 : index
    %get3A_496 = vector.load %arg5[%get3A_494, %get3A_495] : memref<1x1xf32, #tpu.memory_space<vmem>>, vector<1x1xf32>
    %add3A_497 = vector.broadcast %get3A_496 : vector<1x1xf32> to vector<1x128xf32>
    %add3A_498 = arith.addf %dot_general3A_493, %add3A_497 : vector<1x128xf32>
    %mul3A_499 = arith.constant 4096 : i32
    %mul3A_500 = arith.muli %arg0, %mul3A_499 : i32
    %add3A_501 = arith.constant 2304 : i32
    %add3A_502 = arith.addi %mul3A_500, %add3A_501 : i32
    %iota3A_503 = tpu.iota {dimensions = array<i32: 1>} : vector<1x128xi32>
    %add3A_504 = vector.broadcast %add3A_502 : i32 to vector<1x128xi32>
    %add3A_505 = arith.addi %add3A_504, %iota3A_503 : vector<1x128xi32>
    %lt3A_506 = arith.constant 100000 : i32
    %lt3A_507 = vector.broadcast %lt3A_506 : i32 to vector<1x128xi32>
    %lt3A_508 = arith.cmpi slt, %add3A_505, %lt3A_507 : vector<1x128xi32>
    %jit3A_509 = arith.constant -3.000000e+38 : f32
    %broadcast_in_dim3A_510 = vector.broadcast %jit3A_509 : f32 to vector<1x128xf32>
    %select_n3A_511 = arith.select %lt3A_508, %add3A_498, %broadcast_in_dim3A_510 : vector<1x128xi1>, vector<1x128xf32>
    %swap3A_512 = arith.constant 18 : index
    %swap3A_513 = arith.constant 0 : index
    %swap3A_514 = vector.load %arg6[%swap3A_512, %swap3A_513] : memref<32x128xf32, #tpu.memory_space<vmem>>, vector<1x128xf32>
    tpu.vector_store %arg6[%swap3A_512, %swap3A_513], %select_n3A_511 {strides = array<i32>} : memref<32x128xf32, #tpu.memory_space<vmem>>, vector<1x128xf32>,
    %get3A_515 = arith.constant 0 : index
    %get3A_516 = arith.constant 0 : index
    %get3A_517 = vector.load %arg4[%get3A_515, %get3A_516] : memref<64x1xf32, #tpu.memory_space<vmem>>, vector<64x1xf32>
    %slice3A_518 = vector.extract_strided_slice %tanh3A {offsets = [0, 2432], sizes = [64, 128], strides = [1, 1]} : vector<64x4096xf32> to vector<64x128xf32>
    %dot_general3A_519 = arith.constant dense<0.000000e+00> : vector<1x128xf32>
    %dot_general3A_520 = tpu.matmul %get3A_517, %slice3A_518, %dot_general3A_519 {dimension_numbers = #tpu.dot_dimension_numbers<[0], [0], [1], [1], [0, 1, 1, 1], [], []>, transpose_lhs_hint = false} : vector<64x1xf32>, vector<64x128xf32>, vector<1x128xf32> -> vector<1x128xf32>
    %get3A_521 = arith.constant 0 : index
    %get3A_522 = arith.constant 0 : index
    %get3A_523 = vector.load %arg5[%get3A_521, %get3A_522] : memref<1x1xf32, #tpu.memory_space<vmem>>, vector<1x1xf32>
    %add3A_524 = vector.broadcast %get3A_523 : vector<1x1xf32> to vector<1x128xf32>
    %add3A_525 = arith.addf %dot_general3A_520, %add3A_524 : vector<1x128xf32>
    %mul3A_526 = arith.constant 4096 : i32
    %mul3A_527 = arith.muli %arg0, %mul3A_526 : i32
    %add3A_528 = arith.constant 2432 : i32
    %add3A_529 = arith.addi %mul3A_527, %add3A_528 : i32
    %iota3A_530 = tpu.iota {dimensions = array<i32: 1>} : vector<1x128xi32>
    %add3A_531 = vector.broadcast %add3A_529 : i32 to vector<1x128xi32>
    %add3A_532 = arith.addi %add3A_531, %iota3A_530 : vector<1x128xi32>
    %lt3A_533 = arith.constant 100000 : i32
    %lt3A_534 = vector.broadcast %lt3A_533 : i32 to vector<1x128xi32>
    %lt3A_535 = arith.cmpi slt, %add3A_532, %lt3A_534 : vector<1x128xi32>
    %jit3A_536 = arith.constant -3.000000e+38 : f32
    %broadcast_in_dim3A_537 = vector.broadcast %jit3A_536 : f32 to vector<1x128xf32>
    %select_n3A_538 = arith.select %lt3A_535, %add3A_525, %broadcast_in_dim3A_537 : vector<1x128xi1>, vector<1x128xf32>
    %swap3A_539 = arith.constant 19 : index
    %swap3A_540 = arith.constant 0 : index
    %swap3A_541 = vector.load %arg6[%swap3A_539, %swap3A_540] : memref<32x128xf32, #tpu.memory_space<vmem>>, vector<1x128xf32>
    tpu.vector_store %arg6[%swap3A_539, %swap3A_540], %select_n3A_538 {strides = array<i32>} : memref<32x128xf32, #tpu.memory_space<vmem>>, vector<1x128xf32>,
    %get3A_542 = arith.constant 0 : index
    %get3A_543 = arith.constant 0 : index
    %get3A_544 = vector.load %arg4[%get3A_542, %get3A_543] : memref<64x1xf32, #tpu.memory_space<vmem>>, vector<64x1xf32>
    %slice3A_545 = vector.extract_strided_slice %tanh3A {offsets = [0, 2560], sizes = [64, 128], strides = [1, 1]} : vector<64x4096xf32> to vector<64x128xf32>
    %dot_general3A_546 = arith.constant dense<0.000000e+00> : vector<1x128xf32>
    %dot_general3A_547 = tpu.matmul %get3A_544, %slice3A_545, %dot_general3A_546 {dimension_numbers = #tpu.dot_dimension_numbers<[0], [0], [1], [1], [0, 1, 1, 1], [], []>, transpose_lhs_hint = false} : vector<64x1xf32>, vector<64x128xf32>, vector<1x128xf32> -> vector<1x128xf32>
    %get3A_548 = arith.constant 0 : index
    %get3A_549 = arith.constant 0 : index
    %get3A_550 = vector.load %arg5[%get3A_548, %get3A_549] : memref<1x1xf32, #tpu.memory_space<vmem>>, vector<1x1xf32>
    %add3A_551 = vector.broadcast %get3A_550 : vector<1x1xf32> to vector<1x128xf32>
    %add3A_552 = arith.addf %dot_general3A_547, %add3A_551 : vector<1x128xf32>
    %mul3A_553 = arith.constant 4096 : i32
    %mul3A_554 = arith.muli %arg0, %mul3A_553 : i32
    %add3A_555 = arith.constant 2560 : i32
    %add3A_556 = arith.addi %mul3A_554, %add3A_555 : i32
    %iota3A_557 = tpu.iota {dimensions = array<i32: 1>} : vector<1x128xi32>
    %add3A_558 = vector.broadcast %add3A_556 : i32 to vector<1x128xi32>
    %add3A_559 = arith.addi %add3A_558, %iota3A_557 : vector<1x128xi32>
    %lt3A_560 = arith.constant 100000 : i32
    %lt3A_561 = vector.broadcast %lt3A_560 : i32 to vector<1x128xi32>
    %lt3A_562 = arith.cmpi slt, %add3A_559, %lt3A_561 : vector<1x128xi32>
    %jit3A_563 = arith.constant -3.000000e+38 : f32
    %broadcast_in_dim3A_564 = vector.broadcast %jit3A_563 : f32 to vector<1x128xf32>
    %select_n3A_565 = arith.select %lt3A_562, %add3A_552, %broadcast_in_dim3A_564 : vector<1x128xi1>, vector<1x128xf32>
    %swap3A_566 = arith.constant 20 : index
    %swap3A_567 = arith.constant 0 : index
    %swap3A_568 = vector.load %arg6[%swap3A_566, %swap3A_567] : memref<32x128xf32, #tpu.memory_space<vmem>>, vector<1x128xf32>
    tpu.vector_store %arg6[%swap3A_566, %swap3A_567], %select_n3A_565 {strides = array<i32>} : memref<32x128xf32, #tpu.memory_space<vmem>>, vector<1x128xf32>,
    %get3A_569 = arith.constant 0 : index
    %get3A_570 = arith.constant 0 : index
    %get3A_571 = vector.load %arg4[%get3A_569, %get3A_570] : memref<64x1xf32, #tpu.memory_space<vmem>>, vector<64x1xf32>
    %slice3A_572 = vector.extract_strided_slice %tanh3A {offsets = [0, 2688], sizes = [64, 128], strides = [1, 1]} : vector<64x4096xf32> to vector<64x128xf32>
    %dot_general3A_573 = arith.constant dense<0.000000e+00> : vector<1x128xf32>
    %dot_general3A_574 = tpu.matmul %get3A_571, %slice3A_572, %dot_general3A_573 {dimension_numbers = #tpu.dot_dimension_numbers<[0], [0], [1], [1], [0, 1, 1, 1], [], []>, transpose_lhs_hint = false} : vector<64x1xf32>, vector<64x128xf32>, vector<1x128xf32> -> vector<1x128xf32>
    %get3A_575 = arith.constant 0 : index
    %get3A_576 = arith.constant 0 : index
    %get3A_577 = vector.load %arg5[%get3A_575, %get3A_576] : memref<1x1xf32, #tpu.memory_space<vmem>>, vector<1x1xf32>
    %add3A_578 = vector.broadcast %get3A_577 : vector<1x1xf32> to vector<1x128xf32>
    %add3A_579 = arith.addf %dot_general3A_574, %add3A_578 : vector<1x128xf32>
    %mul3A_580 = arith.constant 4096 : i32
    %mul3A_581 = arith.muli %arg0, %mul3A_580 : i32
    %add3A_582 = arith.constant 2688 : i32
    %add3A_583 = arith.addi %mul3A_581, %add3A_582 : i32
    %iota3A_584 = tpu.iota {dimensions = array<i32: 1>} : vector<1x128xi32>
    %add3A_585 = vector.broadcast %add3A_583 : i32 to vector<1x128xi32>
    %add3A_586 = arith.addi %add3A_585, %iota3A_584 : vector<1x128xi32>
    %lt3A_587 = arith.constant 100000 : i32
    %lt3A_588 = vector.broadcast %lt3A_587 : i32 to vector<1x128xi32>
    %lt3A_589 = arith.cmpi slt, %add3A_586, %lt3A_588 : vector<1x128xi32>
    %jit3A_590 = arith.constant -3.000000e+38 : f32
    %broadcast_in_dim3A_591 = vector.broadcast %jit3A_590 : f32 to vector<1x128xf32>
    %select_n3A_592 = arith.select %lt3A_589, %add3A_579, %broadcast_in_dim3A_591 : vector<1x128xi1>, vector<1x128xf32>
    %swap3A_593 = arith.constant 21 : index
    %swap3A_594 = arith.constant 0 : index
    %swap3A_595 = vector.load %arg6[%swap3A_593, %swap3A_594] : memref<32x128xf32, #tpu.memory_space<vmem>>, vector<1x128xf32>
    tpu.vector_store %arg6[%swap3A_593, %swap3A_594], %select_n3A_592 {strides = array<i32>} : memref<32x128xf32, #tpu.memory_space<vmem>>, vector<1x128xf32>,
    %get3A_596 = arith.constant 0 : index
    %get3A_597 = arith.constant 0 : index
    %get3A_598 = vector.load %arg4[%get3A_596, %get3A_597] : memref<64x1xf32, #tpu.memory_space<vmem>>, vector<64x1xf32>
    %slice3A_599 = vector.extract_strided_slice %tanh3A {offsets = [0, 2816], sizes = [64, 128], strides = [1, 1]} : vector<64x4096xf32> to vector<64x128xf32>
    %dot_general3A_600 = arith.constant dense<0.000000e+00> : vector<1x128xf32>
    %dot_general3A_601 = tpu.matmul %get3A_598, %slice3A_599, %dot_general3A_600 {dimension_numbers = #tpu.dot_dimension_numbers<[0], [0], [1], [1], [0, 1, 1, 1], [], []>, transpose_lhs_hint = false} : vector<64x1xf32>, vector<64x128xf32>, vector<1x128xf32> -> vector<1x128xf32>
    %get3A_602 = arith.constant 0 : index
    %get3A_603 = arith.constant 0 : index
    %get3A_604 = vector.load %arg5[%get3A_602, %get3A_603] : memref<1x1xf32, #tpu.memory_space<vmem>>, vector<1x1xf32>
    %add3A_605 = vector.broadcast %get3A_604 : vector<1x1xf32> to vector<1x128xf32>
    %add3A_606 = arith.addf %dot_general3A_601, %add3A_605 : vector<1x128xf32>
    %mul3A_607 = arith.constant 4096 : i32
    %mul3A_608 = arith.muli %arg0, %mul3A_607 : i32
    %add3A_609 = arith.constant 2816 : i32
    %add3A_610 = arith.addi %mul3A_608, %add3A_609 : i32
    %iota3A_611 = tpu.iota {dimensions = array<i32: 1>} : vector<1x128xi32>
    %add3A_612 = vector.broadcast %add3A_610 : i32 to vector<1x128xi32>
    %add3A_613 = arith.addi %add3A_612, %iota3A_611 : vector<1x128xi32>
    %lt3A_614 = arith.constant 100000 : i32
    %lt3A_615 = vector.broadcast %lt3A_614 : i32 to vector<1x128xi32>
    %lt3A_616 = arith.cmpi slt, %add3A_613, %lt3A_615 : vector<1x128xi32>
    %jit3A_617 = arith.constant -3.000000e+38 : f32
    %broadcast_in_dim3A_618 = vector.broadcast %jit3A_617 : f32 to vector<1x128xf32>
    %select_n3A_619 = arith.select %lt3A_616, %add3A_606, %broadcast_in_dim3A_618 : vector<1x128xi1>, vector<1x128xf32>
    %swap3A_620 = arith.constant 22 : index
    %swap3A_621 = arith.constant 0 : index
    %swap3A_622 = vector.load %arg6[%swap3A_620, %swap3A_621] : memref<32x128xf32, #tpu.memory_space<vmem>>, vector<1x128xf32>
    tpu.vector_store %arg6[%swap3A_620, %swap3A_621], %select_n3A_619 {strides = array<i32>} : memref<32x128xf32, #tpu.memory_space<vmem>>, vector<1x128xf32>,
    %get3A_623 = arith.constant 0 : index
    %get3A_624 = arith.constant 0 : index
    %get3A_625 = vector.load %arg4[%get3A_623, %get3A_624] : memref<64x1xf32, #tpu.memory_space<vmem>>, vector<64x1xf32>
    %slice3A_626 = vector.extract_strided_slice %tanh3A {offsets = [0, 2944], sizes = [64, 128], strides = [1, 1]} : vector<64x4096xf32> to vector<64x128xf32>
    %dot_general3A_627 = arith.constant dense<0.000000e+00> : vector<1x128xf32>
    %dot_general3A_628 = tpu.matmul %get3A_625, %slice3A_626, %dot_general3A_627 {dimension_numbers = #tpu.dot_dimension_numbers<[0], [0], [1], [1], [0, 1, 1, 1], [], []>, transpose_lhs_hint = false} : vector<64x1xf32>, vector<64x128xf32>, vector<1x128xf32> -> vector<1x128xf32>
    %get3A_629 = arith.constant 0 : index
    %get3A_630 = arith.constant 0 : index
    %get3A_631 = vector.load %arg5[%get3A_629, %get3A_630] : memref<1x1xf32, #tpu.memory_space<vmem>>, vector<1x1xf32>
    %add3A_632 = vector.broadcast %get3A_631 : vector<1x1xf32> to vector<1x128xf32>
    %add3A_633 = arith.addf %dot_general3A_628, %add3A_632 : vector<1x128xf32>
    %mul3A_634 = arith.constant 4096 : i32
    %mul3A_635 = arith.muli %arg0, %mul3A_634 : i32
    %add3A_636 = arith.constant 2944 : i32
    %add3A_637 = arith.addi %mul3A_635, %add3A_636 : i32
    %iota3A_638 = tpu.iota {dimensions = array<i32: 1>} : vector<1x128xi32>
    %add3A_639 = vector.broadcast %add3A_637 : i32 to vector<1x128xi32>
    %add3A_640 = arith.addi %add3A_639, %iota3A_638 : vector<1x128xi32>
    %lt3A_641 = arith.constant 100000 : i32
    %lt3A_642 = vector.broadcast %lt3A_641 : i32 to vector<1x128xi32>
    %lt3A_643 = arith.cmpi slt, %add3A_640, %lt3A_642 : vector<1x128xi32>
    %jit3A_644 = arith.constant -3.000000e+38 : f32
    %broadcast_in_dim3A_645 = vector.broadcast %jit3A_644 : f32 to vector<1x128xf32>
    %select_n3A_646 = arith.select %lt3A_643, %add3A_633, %broadcast_in_dim3A_645 : vector<1x128xi1>, vector<1x128xf32>
    %swap3A_647 = arith.constant 23 : index
    %swap3A_648 = arith.constant 0 : index
    %swap3A_649 = vector.load %arg6[%swap3A_647, %swap3A_648] : memref<32x128xf32, #tpu.memory_space<vmem>>, vector<1x128xf32>
    tpu.vector_store %arg6[%swap3A_647, %swap3A_648], %select_n3A_646 {strides = array<i32>} : memref<32x128xf32, #tpu.memory_space<vmem>>, vector<1x128xf32>,
    %get3A_650 = arith.constant 0 : index
    %get3A_651 = arith.constant 0 : index
    %get3A_652 = vector.load %arg4[%get3A_650, %get3A_651] : memref<64x1xf32, #tpu.memory_space<vmem>>, vector<64x1xf32>
    %slice3A_653 = vector.extract_strided_slice %tanh3A {offsets = [0, 3072], sizes = [64, 128], strides = [1, 1]} : vector<64x4096xf32> to vector<64x128xf32>
    %dot_general3A_654 = arith.constant dense<0.000000e+00> : vector<1x128xf32>
    %dot_general3A_655 = tpu.matmul %get3A_652, %slice3A_653, %dot_general3A_654 {dimension_numbers = #tpu.dot_dimension_numbers<[0], [0], [1], [1], [0, 1, 1, 1], [], []>, transpose_lhs_hint = false} : vector<64x1xf32>, vector<64x128xf32>, vector<1x128xf32> -> vector<1x128xf32>
    %get3A_656 = arith.constant 0 : index
    %get3A_657 = arith.constant 0 : index
    %get3A_658 = vector.load %arg5[%get3A_656, %get3A_657] : memref<1x1xf32, #tpu.memory_space<vmem>>, vector<1x1xf32>
    %add3A_659 = vector.broadcast %get3A_658 : vector<1x1xf32> to vector<1x128xf32>
    %add3A_660 = arith.addf %dot_general3A_655, %add3A_659 : vector<1x128xf32>
    %mul3A_661 = arith.constant 4096 : i32
    %mul3A_662 = arith.muli %arg0, %mul3A_661 : i32
    %add3A_663 = arith.constant 3072 : i32
    %add3A_664 = arith.addi %mul3A_662, %add3A_663 : i32
    %iota3A_665 = tpu.iota {dimensions = array<i32: 1>} : vector<1x128xi32>
    %add3A_666 = vector.broadcast %add3A_664 : i32 to vector<1x128xi32>
    %add3A_667 = arith.addi %add3A_666, %iota3A_665 : vector<1x128xi32>
    %lt3A_668 = arith.constant 100000 : i32
    %lt3A_669 = vector.broadcast %lt3A_668 : i32 to vector<1x128xi32>
    %lt3A_670 = arith.cmpi slt, %add3A_667, %lt3A_669 : vector<1x128xi32>
    %jit3A_671 = arith.constant -3.000000e+38 : f32
    %broadcast_in_dim3A_672 = vector.broadcast %jit3A_671 : f32 to vector<1x128xf32>
    %select_n3A_673 = arith.select %lt3A_670, %add3A_660, %broadcast_in_dim3A_672 : vector<1x128xi1>, vector<1x128xf32>
    %swap3A_674 = arith.constant 24 : index
    %swap3A_675 = arith.constant 0 : index
    %swap3A_676 = vector.load %arg6[%swap3A_674, %swap3A_675] : memref<32x128xf32, #tpu.memory_space<vmem>>, vector<1x128xf32>
    tpu.vector_store %arg6[%swap3A_674, %swap3A_675], %select_n3A_673 {strides = array<i32>} : memref<32x128xf32, #tpu.memory_space<vmem>>, vector<1x128xf32>,
    %get3A_677 = arith.constant 0 : index
    %get3A_678 = arith.constant 0 : index
    %get3A_679 = vector.load %arg4[%get3A_677, %get3A_678] : memref<64x1xf32, #tpu.memory_space<vmem>>, vector<64x1xf32>
    %slice3A_680 = vector.extract_strided_slice %tanh3A {offsets = [0, 3200], sizes = [64, 128], strides = [1, 1]} : vector<64x4096xf32> to vector<64x128xf32>
    %dot_general3A_681 = arith.constant dense<0.000000e+00> : vector<1x128xf32>
    %dot_general3A_682 = tpu.matmul %get3A_679, %slice3A_680, %dot_general3A_681 {dimension_numbers = #tpu.dot_dimension_numbers<[0], [0], [1], [1], [0, 1, 1, 1], [], []>, transpose_lhs_hint = false} : vector<64x1xf32>, vector<64x128xf32>, vector<1x128xf32> -> vector<1x128xf32>
    %get3A_683 = arith.constant 0 : index
    %get3A_684 = arith.constant 0 : index
    %get3A_685 = vector.load %arg5[%get3A_683, %get3A_684] : memref<1x1xf32, #tpu.memory_space<vmem>>, vector<1x1xf32>
    %add3A_686 = vector.broadcast %get3A_685 : vector<1x1xf32> to vector<1x128xf32>
    %add3A_687 = arith.addf %dot_general3A_682, %add3A_686 : vector<1x128xf32>
    %mul3A_688 = arith.constant 4096 : i32
    %mul3A_689 = arith.muli %arg0, %mul3A_688 : i32
    %add3A_690 = arith.constant 3200 : i32
    %add3A_691 = arith.addi %mul3A_689, %add3A_690 : i32
    %iota3A_692 = tpu.iota {dimensions = array<i32: 1>} : vector<1x128xi32>
    %add3A_693 = vector.broadcast %add3A_691 : i32 to vector<1x128xi32>
    %add3A_694 = arith.addi %add3A_693, %iota3A_692 : vector<1x128xi32>
    %lt3A_695 = arith.constant 100000 : i32
    %lt3A_696 = vector.broadcast %lt3A_695 : i32 to vector<1x128xi32>
    %lt3A_697 = arith.cmpi slt, %add3A_694, %lt3A_696 : vector<1x128xi32>
    %jit3A_698 = arith.constant -3.000000e+38 : f32
    %broadcast_in_dim3A_699 = vector.broadcast %jit3A_698 : f32 to vector<1x128xf32>
    %select_n3A_700 = arith.select %lt3A_697, %add3A_687, %broadcast_in_dim3A_699 : vector<1x128xi1>, vector<1x128xf32>
    %swap3A_701 = arith.constant 25 : index
    %swap3A_702 = arith.constant 0 : index
    %swap3A_703 = vector.load %arg6[%swap3A_701, %swap3A_702] : memref<32x128xf32, #tpu.memory_space<vmem>>, vector<1x128xf32>
    tpu.vector_store %arg6[%swap3A_701, %swap3A_702], %select_n3A_700 {strides = array<i32>} : memref<32x128xf32, #tpu.memory_space<vmem>>, vector<1x128xf32>,
    %get3A_704 = arith.constant 0 : index
    %get3A_705 = arith.constant 0 : index
    %get3A_706 = vector.load %arg4[%get3A_704, %get3A_705] : memref<64x1xf32, #tpu.memory_space<vmem>>, vector<64x1xf32>
    %slice3A_707 = vector.extract_strided_slice %tanh3A {offsets = [0, 3328], sizes = [64, 128], strides = [1, 1]} : vector<64x4096xf32> to vector<64x128xf32>
    %dot_general3A_708 = arith.constant dense<0.000000e+00> : vector<1x128xf32>
    %dot_general3A_709 = tpu.matmul %get3A_706, %slice3A_707, %dot_general3A_708 {dimension_numbers = #tpu.dot_dimension_numbers<[0], [0], [1], [1], [0, 1, 1, 1], [], []>, transpose_lhs_hint = false} : vector<64x1xf32>, vector<64x128xf32>, vector<1x128xf32> -> vector<1x128xf32>
    %get3A_710 = arith.constant 0 : index
    %get3A_711 = arith.constant 0 : index
    %get3A_712 = vector.load %arg5[%get3A_710, %get3A_711] : memref<1x1xf32, #tpu.memory_space<vmem>>, vector<1x1xf32>
    %add3A_713 = vector.broadcast %get3A_712 : vector<1x1xf32> to vector<1x128xf32>
    %add3A_714 = arith.addf %dot_general3A_709, %add3A_713 : vector<1x128xf32>
    %mul3A_715 = arith.constant 4096 : i32
    %mul3A_716 = arith.muli %arg0, %mul3A_715 : i32
    %add3A_717 = arith.constant 3328 : i32
    %add3A_718 = arith.addi %mul3A_716, %add3A_717 : i32
    %iota3A_719 = tpu.iota {dimensions = array<i32: 1>} : vector<1x128xi32>
    %add3A_720 = vector.broadcast %add3A_718 : i32 to vector<1x128xi32>
    %add3A_721 = arith.addi %add3A_720, %iota3A_719 : vector<1x128xi32>
    %lt3A_722 = arith.constant 100000 : i32
    %lt3A_723 = vector.broadcast %lt3A_722 : i32 to vector<1x128xi32>
    %lt3A_724 = arith.cmpi slt, %add3A_721, %lt3A_723 : vector<1x128xi32>
    %jit3A_725 = arith.constant -3.000000e+38 : f32
    %broadcast_in_dim3A_726 = vector.broadcast %jit3A_725 : f32 to vector<1x128xf32>
    %select_n3A_727 = arith.select %lt3A_724, %add3A_714, %broadcast_in_dim3A_726 : vector<1x128xi1>, vector<1x128xf32>
    %swap3A_728 = arith.constant 26 : index
    %swap3A_729 = arith.constant 0 : index
    %swap3A_730 = vector.load %arg6[%swap3A_728, %swap3A_729] : memref<32x128xf32, #tpu.memory_space<vmem>>, vector<1x128xf32>
    tpu.vector_store %arg6[%swap3A_728, %swap3A_729], %select_n3A_727 {strides = array<i32>} : memref<32x128xf32, #tpu.memory_space<vmem>>, vector<1x128xf32>,
    %get3A_731 = arith.constant 0 : index
    %get3A_732 = arith.constant 0 : index
    %get3A_733 = vector.load %arg4[%get3A_731, %get3A_732] : memref<64x1xf32, #tpu.memory_space<vmem>>, vector<64x1xf32>
    %slice3A_734 = vector.extract_strided_slice %tanh3A {offsets = [0, 3456], sizes = [64, 128], strides = [1, 1]} : vector<64x4096xf32> to vector<64x128xf32>
    %dot_general3A_735 = arith.constant dense<0.000000e+00> : vector<1x128xf32>
    %dot_general3A_736 = tpu.matmul %get3A_733, %slice3A_734, %dot_general3A_735 {dimension_numbers = #tpu.dot_dimension_numbers<[0], [0], [1], [1], [0, 1, 1, 1], [], []>, transpose_lhs_hint = false} : vector<64x1xf32>, vector<64x128xf32>, vector<1x128xf32> -> vector<1x128xf32>
    %get3A_737 = arith.constant 0 : index
    %get3A_738 = arith.constant 0 : index
    %get3A_739 = vector.load %arg5[%get3A_737, %get3A_738] : memref<1x1xf32, #tpu.memory_space<vmem>>, vector<1x1xf32>
    %add3A_740 = vector.broadcast %get3A_739 : vector<1x1xf32> to vector<1x128xf32>
    %add3A_741 = arith.addf %dot_general3A_736, %add3A_740 : vector<1x128xf32>
    %mul3A_742 = arith.constant 4096 : i32
    %mul3A_743 = arith.muli %arg0, %mul3A_742 : i32
    %add3A_744 = arith.constant 3456 : i32
    %add3A_745 = arith.addi %mul3A_743, %add3A_744 : i32
    %iota3A_746 = tpu.iota {dimensions = array<i32: 1>} : vector<1x128xi32>
    %add3A_747 = vector.broadcast %add3A_745 : i32 to vector<1x128xi32>
    %add3A_748 = arith.addi %add3A_747, %iota3A_746 : vector<1x128xi32>
    %lt3A_749 = arith.constant 100000 : i32
    %lt3A_750 = vector.broadcast %lt3A_749 : i32 to vector<1x128xi32>
    %lt3A_751 = arith.cmpi slt, %add3A_748, %lt3A_750 : vector<1x128xi32>
    %jit3A_752 = arith.constant -3.000000e+38 : f32
    %broadcast_in_dim3A_753 = vector.broadcast %jit3A_752 : f32 to vector<1x128xf32>
    %select_n3A_754 = arith.select %lt3A_751, %add3A_741, %broadcast_in_dim3A_753 : vector<1x128xi1>, vector<1x128xf32>
    %swap3A_755 = arith.constant 27 : index
    %swap3A_756 = arith.constant 0 : index
    %swap3A_757 = vector.load %arg6[%swap3A_755, %swap3A_756] : memref<32x128xf32, #tpu.memory_space<vmem>>, vector<1x128xf32>
    tpu.vector_store %arg6[%swap3A_755, %swap3A_756], %select_n3A_754 {strides = array<i32>} : memref<32x128xf32, #tpu.memory_space<vmem>>, vector<1x128xf32>,
    %get3A_758 = arith.constant 0 : index
    %get3A_759 = arith.constant 0 : index
    %get3A_760 = vector.load %arg4[%get3A_758, %get3A_759] : memref<64x1xf32, #tpu.memory_space<vmem>>, vector<64x1xf32>
    %slice3A_761 = vector.extract_strided_slice %tanh3A {offsets = [0, 3584], sizes = [64, 128], strides = [1, 1]} : vector<64x4096xf32> to vector<64x128xf32>
    %dot_general3A_762 = arith.constant dense<0.000000e+00> : vector<1x128xf32>
    %dot_general3A_763 = tpu.matmul %get3A_760, %slice3A_761, %dot_general3A_762 {dimension_numbers = #tpu.dot_dimension_numbers<[0], [0], [1], [1], [0, 1, 1, 1], [], []>, transpose_lhs_hint = false} : vector<64x1xf32>, vector<64x128xf32>, vector<1x128xf32> -> vector<1x128xf32>
    %get3A_764 = arith.constant 0 : index
    %get3A_765 = arith.constant 0 : index
    %get3A_766 = vector.load %arg5[%get3A_764, %get3A_765] : memref<1x1xf32, #tpu.memory_space<vmem>>, vector<1x1xf32>
    %add3A_767 = vector.broadcast %get3A_766 : vector<1x1xf32> to vector<1x128xf32>
    %add3A_768 = arith.addf %dot_general3A_763, %add3A_767 : vector<1x128xf32>
    %mul3A_769 = arith.constant 4096 : i32
    %mul3A_770 = arith.muli %arg0, %mul3A_769 : i32
    %add3A_771 = arith.constant 3584 : i32
    %add3A_772 = arith.addi %mul3A_770, %add3A_771 : i32
    %iota3A_773 = tpu.iota {dimensions = array<i32: 1>} : vector<1x128xi32>
    %add3A_774 = vector.broadcast %add3A_772 : i32 to vector<1x128xi32>
    %add3A_775 = arith.addi %add3A_774, %iota3A_773 : vector<1x128xi32>
    %lt3A_776 = arith.constant 100000 : i32
    %lt3A_777 = vector.broadcast %lt3A_776 : i32 to vector<1x128xi32>
    %lt3A_778 = arith.cmpi slt, %add3A_775, %lt3A_777 : vector<1x128xi32>
    %jit3A_779 = arith.constant -3.000000e+38 : f32
    %broadcast_in_dim3A_780 = vector.broadcast %jit3A_779 : f32 to vector<1x128xf32>
    %select_n3A_781 = arith.select %lt3A_778, %add3A_768, %broadcast_in_dim3A_780 : vector<1x128xi1>, vector<1x128xf32>
    %swap3A_782 = arith.constant 28 : index
    %swap3A_783 = arith.constant 0 : index
    %swap3A_784 = vector.load %arg6[%swap3A_782, %swap3A_783] : memref<32x128xf32, #tpu.memory_space<vmem>>, vector<1x128xf32>
    tpu.vector_store %arg6[%swap3A_782, %swap3A_783], %select_n3A_781 {strides = array<i32>} : memref<32x128xf32, #tpu.memory_space<vmem>>, vector<1x128xf32>,
    %get3A_785 = arith.constant 0 : index
    %get3A_786 = arith.constant 0 : index
    %get3A_787 = vector.load %arg4[%get3A_785, %get3A_786] : memref<64x1xf32, #tpu.memory_space<vmem>>, vector<64x1xf32>
    %slice3A_788 = vector.extract_strided_slice %tanh3A {offsets = [0, 3712], sizes = [64, 128], strides = [1, 1]} : vector<64x4096xf32> to vector<64x128xf32>
    %dot_general3A_789 = arith.constant dense<0.000000e+00> : vector<1x128xf32>
    %dot_general3A_790 = tpu.matmul %get3A_787, %slice3A_788, %dot_general3A_789 {dimension_numbers = #tpu.dot_dimension_numbers<[0], [0], [1], [1], [0, 1, 1, 1], [], []>, transpose_lhs_hint = false} : vector<64x1xf32>, vector<64x128xf32>, vector<1x128xf32> -> vector<1x128xf32>
    %get3A_791 = arith.constant 0 : index
    %get3A_792 = arith.constant 0 : index
    %get3A_793 = vector.load %arg5[%get3A_791, %get3A_792] : memref<1x1xf32, #tpu.memory_space<vmem>>, vector<1x1xf32>
    %add3A_794 = vector.broadcast %get3A_793 : vector<1x1xf32> to vector<1x128xf32>
    %add3A_795 = arith.addf %dot_general3A_790, %add3A_794 : vector<1x128xf32>
    %mul3A_796 = arith.constant 4096 : i32
    %mul3A_797 = arith.muli %arg0, %mul3A_796 : i32
    %add3A_798 = arith.constant 3712 : i32
    %add3A_799 = arith.addi %mul3A_797, %add3A_798 : i32
    %iota3A_800 = tpu.iota {dimensions = array<i32: 1>} : vector<1x128xi32>
    %add3A_801 = vector.broadcast %add3A_799 : i32 to vector<1x128xi32>
    %add3A_802 = arith.addi %add3A_801, %iota3A_800 : vector<1x128xi32>
    %lt3A_803 = arith.constant 100000 : i32
    %lt3A_804 = vector.broadcast %lt3A_803 : i32 to vector<1x128xi32>
    %lt3A_805 = arith.cmpi slt, %add3A_802, %lt3A_804 : vector<1x128xi32>
    %jit3A_806 = arith.constant -3.000000e+38 : f32
    %broadcast_in_dim3A_807 = vector.broadcast %jit3A_806 : f32 to vector<1x128xf32>
    %select_n3A_808 = arith.select %lt3A_805, %add3A_795, %broadcast_in_dim3A_807 : vector<1x128xi1>, vector<1x128xf32>
    %swap3A_809 = arith.constant 29 : index
    %swap3A_810 = arith.constant 0 : index
    %swap3A_811 = vector.load %arg6[%swap3A_809, %swap3A_810] : memref<32x128xf32, #tpu.memory_space<vmem>>, vector<1x128xf32>
    tpu.vector_store %arg6[%swap3A_809, %swap3A_810], %select_n3A_808 {strides = array<i32>} : memref<32x128xf32, #tpu.memory_space<vmem>>, vector<1x128xf32>,
    %get3A_812 = arith.constant 0 : index
    %get3A_813 = arith.constant 0 : index
    %get3A_814 = vector.load %arg4[%get3A_812, %get3A_813] : memref<64x1xf32, #tpu.memory_space<vmem>>, vector<64x1xf32>
    %slice3A_815 = vector.extract_strided_slice %tanh3A {offsets = [0, 3840], sizes = [64, 128], strides = [1, 1]} : vector<64x4096xf32> to vector<64x128xf32>
    %dot_general3A_816 = arith.constant dense<0.000000e+00> : vector<1x128xf32>
    %dot_general3A_817 = tpu.matmul %get3A_814, %slice3A_815, %dot_general3A_816 {dimension_numbers = #tpu.dot_dimension_numbers<[0], [0], [1], [1], [0, 1, 1, 1], [], []>, transpose_lhs_hint = false} : vector<64x1xf32>, vector<64x128xf32>, vector<1x128xf32> -> vector<1x128xf32>
    %get3A_818 = arith.constant 0 : index
    %get3A_819 = arith.constant 0 : index
    %get3A_820 = vector.load %arg5[%get3A_818, %get3A_819] : memref<1x1xf32, #tpu.memory_space<vmem>>, vector<1x1xf32>
    %add3A_821 = vector.broadcast %get3A_820 : vector<1x1xf32> to vector<1x128xf32>
    %add3A_822 = arith.addf %dot_general3A_817, %add3A_821 : vector<1x128xf32>
    %mul3A_823 = arith.constant 4096 : i32
    %mul3A_824 = arith.muli %arg0, %mul3A_823 : i32
    %add3A_825 = arith.constant 3840 : i32
    %add3A_826 = arith.addi %mul3A_824, %add3A_825 : i32
    %iota3A_827 = tpu.iota {dimensions = array<i32: 1>} : vector<1x128xi32>
    %add3A_828 = vector.broadcast %add3A_826 : i32 to vector<1x128xi32>
    %add3A_829 = arith.addi %add3A_828, %iota3A_827 : vector<1x128xi32>
    %lt3A_830 = arith.constant 100000 : i32
    %lt3A_831 = vector.broadcast %lt3A_830 : i32 to vector<1x128xi32>
    %lt3A_832 = arith.cmpi slt, %add3A_829, %lt3A_831 : vector<1x128xi32>
    %jit3A_833 = arith.constant -3.000000e+38 : f32
    %broadcast_in_dim3A_834 = vector.broadcast %jit3A_833 : f32 to vector<1x128xf32>
    %select_n3A_835 = arith.select %lt3A_832, %add3A_822, %broadcast_in_dim3A_834 : vector<1x128xi1>, vector<1x128xf32>
    %swap3A_836 = arith.constant 30 : index
    %swap3A_837 = arith.constant 0 : index
    %swap3A_838 = vector.load %arg6[%swap3A_836, %swap3A_837] : memref<32x128xf32, #tpu.memory_space<vmem>>, vector<1x128xf32>
    tpu.vector_store %arg6[%swap3A_836, %swap3A_837], %select_n3A_835 {strides = array<i32>} : memref<32x128xf32, #tpu.memory_space<vmem>>, vector<1x128xf32>,
    %get3A_839 = arith.constant 0 : index
    %get3A_840 = arith.constant 0 : index
    %get3A_841 = vector.load %arg4[%get3A_839, %get3A_840] : memref<64x1xf32, #tpu.memory_space<vmem>>, vector<64x1xf32>
    %slice3A_842 = vector.extract_strided_slice %tanh3A {offsets = [0, 3968], sizes = [64, 128], strides = [1, 1]} : vector<64x4096xf32> to vector<64x128xf32>
    %dot_general3A_843 = arith.constant dense<0.000000e+00> : vector<1x128xf32>
    %dot_general3A_844 = tpu.matmul %get3A_841, %slice3A_842, %dot_general3A_843 {dimension_numbers = #tpu.dot_dimension_numbers<[0], [0], [1], [1], [0, 1, 1, 1], [], []>, transpose_lhs_hint = false} : vector<64x1xf32>, vector<64x128xf32>, vector<1x128xf32> -> vector<1x128xf32>
    %get3A_845 = arith.constant 0 : index
    %get3A_846 = arith.constant 0 : index
    %get3A_847 = vector.load %arg5[%get3A_845, %get3A_846] : memref<1x1xf32, #tpu.memory_space<vmem>>, vector<1x1xf32>
    %add3A_848 = vector.broadcast %get3A_847 : vector<1x1xf32> to vector<1x128xf32>
    %add3A_849 = arith.addf %dot_general3A_844, %add3A_848 : vector<1x128xf32>
    %mul3A_850 = arith.constant 4096 : i32
    %mul3A_851 = arith.muli %arg0, %mul3A_850 : i32
    %add3A_852 = arith.constant 3968 : i32
    %add3A_853 = arith.addi %mul3A_851, %add3A_852 : i32
    %iota3A_854 = tpu.iota {dimensions = array<i32: 1>} : vector<1x128xi32>
    %add3A_855 = vector.broadcast %add3A_853 : i32 to vector<1x128xi32>
    %add3A_856 = arith.addi %add3A_855, %iota3A_854 : vector<1x128xi32>
    %lt3A_857 = arith.constant 100000 : i32
    %lt3A_858 = vector.broadcast %lt3A_857 : i32 to vector<1x128xi32>
    %lt3A_859 = arith.cmpi slt, %add3A_856, %lt3A_858 : vector<1x128xi32>
    %jit3A_860 = arith.constant -3.000000e+38 : f32
    %broadcast_in_dim3A_861 = vector.broadcast %jit3A_860 : f32 to vector<1x128xf32>
    %select_n3A_862 = arith.select %lt3A_859, %add3A_849, %broadcast_in_dim3A_861 : vector<1x128xi1>, vector<1x128xf32>
    %swap3A_863 = arith.constant 31 : index
    %swap3A_864 = arith.constant 0 : index
    %swap3A_865 = vector.load %arg6[%swap3A_863, %swap3A_864] : memref<32x128xf32, #tpu.memory_space<vmem>>, vector<1x128xf32>
    tpu.vector_store %arg6[%swap3A_863, %swap3A_864], %select_n3A_862 {strides = array<i32>} : memref<32x128xf32, #tpu.memory_space<vmem>>, vector<1x128xf32>,
    return
  }
  func.func @transform_0(%arg0: i32) -> (i32, i32) {
    %c0_i32 = arith.constant 0 : i32
    %c0_i32_0 = arith.constant 0 : i32
    return %arg0, %c0_i32 : i32, i32
  }
  func.func @transform_1(%arg0: i32) -> (i32, i32) {
    %c0_i32 = arith.constant 0 : i32
    %c0_i32_0 = arith.constant 0 : i32
    %c0_i32_1 = arith.constant 0 : i32
    return %c0_i32, %c0_i32_0 : i32, i32
  }
  func.func @transform_2(%arg0: i32) -> (i32, i32) {
    %c0_i32 = arith.constant 0 : i32
    %c0_i32_0 = arith.constant 0 : i32
    %c0_i32_1 = arith.constant 0 : i32
    return %c0_i32, %c0_i32_0 : i32, i32
  }
  func.func @transform_3(%arg0: i32) -> (i32, i32) {
    %c0_i32 = arith.constant 0 : i32
    %c0_i32_0 = arith.constant 0 : i32
    %c0_i32_1 = arith.constant 0 : i32
    return %c0_i32, %c0_i32_0 : i32, i32
  }
  func.func @transform_4(%arg0: i32) -> (i32, i32) {
    %c0_i32 = arith.constant 0 : i32
    %c0_i32_0 = arith.constant 0 : i32
    %c0_i32_1 = arith.constant 0 : i32
    return %c0_i32, %c0_i32_0 : i32, i32
  }
  func.func @transform_5(%arg0: i32) -> (i32, i32) {
    %c0_i32 = arith.constant 0 : i32
    %c0_i32_0 = arith.constant 0 : i32
    return %arg0, %c0_i32 : i32, i32
  }
}

</mosaic_0001>

<sc_bundles>
// kernel: kernel.6.cloned.1.call-start
scs
__scs_entry_jumppad:
0x0: {  	(pc) =	sbr.rel $0x88, $3  }
0x1: {  	(tag) =	ssettag $0x0;
	lr =	simm.s32 $0x1  }
0x2: {  	[smem:$0x3F9B] =	sst lr;
	_ =	strace $0xD0000000  }
0x3: {  	_ = 	snop  }
0x4: {  	_ = 	snop  }
0x5: {  	_ = 	snop  }
0x6: {  	_ = 	snop  }
0x7: {  	_ = 	snop  }
__scs_overlays_trampoline_lowered:
0x8: {  	[smem:$0x3FAA] =	sst s0  }
0x9: {  	[smem:$0x3FAB] =	sst s1  }
0xa: {  	[smem:$0x3FAC] =	sst s2  }
0xb: {  	[smem:$0x3FAD] =	sst s3  }
0xc: {  	[smem:$0x3FAE] =	sst s4  }
0xd: {  	[smem:$0x3FAF] =	sst s5  }
0xe: {  	[smem:$0x3FB0] =	sst s6  }
0xf: {  	[smem:$0x3FB1] =	sst s7  }
0x10: {  	[smem:$0x3FB2] =	sst s8  }
0x11: {  	[smem:$0x3FB3] =	sst s9;
	s0 =	simm.s32 @!p0 $0x0  }
0x12: {  	s1 =	sld [smem:$0x3F99];
	s0 =	simm.s32 @p0 $0x1  }
0x13: {  	[smem:$0x3FB4] =	sst s0;
	s0 =	simm.s32 @!p1 $0x0  }
0x14: {  	s2 =	sld [smem:$0x3F98];
	s0 =	simm.s32 @p1 $0x1  }
0x15: {  	[smem:$0x3FB5] =	sst s0;
	s0 =	simm.s32 @!p2 $0x0  }
0x16: {  	s3 =	sld [smem:$0x3FDB];
	s0 =	simm.s32 @p2 $0x1  }
0x17: {  	s4 =	simm.s32 $0x1BF5;
	[smem:$0x3FB7] =	sst s0  }
0x18: {  	s0 =	sld [smem:$0x3F9A];
	_ =	swait.ge [sflag:s4], $0x0  }
0x19: {  	s7 =	sld [smem:$0x3F9B]  }
0x1a: {  	s8 =	sadd.s32 $0xFFFFE003, lr  }
0x1b: {  	s9 =	sadd.s32 $0xFFFFFEF7, lr;
	s5 =	simm.s32 $0xFFFFFFFF;
	p2 =	slt.u32 s8, $0xFFFFF086  }
0x1c: {  	p1 =	slt.u32 s9, $0xF7A;
	s5 =	simm.s32 @!p2 $0x0  }
0x1d: {  	s5 =	simm.s32 @p1 $0x1;
	p0 =	seq.s32 s7, s2  }
0x1e: {  	s7 =	smul.u32 @!p0 $0xF7A, s2;
	p2 =	seq.s32 @!p0 s5, $0x0  }
0x1f: {  	s9 =	smul.u32 $0xF7A, s1;
	s8 =	simm.s32 @!p0 $0x1BF5;
	p2 =	por !p2, p0  }
0x20: {  	[sflag:s8] =	ssyncset.s32 @!p0 $0xFFFFF086;
	s6 =	sadd.s32 @!p0 s3, s7;
	s7 =	simm.s32 @!p0 $0x108  }
0x21: {  	s3 =	sadd.s32 s3, s9;
	s6 =	sadd.s32 @!p0 $0x88, s6;
	s7 =	simm.s32 @p2 $0x1082  }
0x22: {  	[simem:s7], [sflag:s8] =	dma.local @!p0 [hbm:s6], $0xF7A  }
0x23: {  	s9 =	sor.u32 $0xD0000000, s2;
	s6 =	simm.s32 $0x108;
	_ =	swait.ge @!p0 [sflag:s8], $0x0  }
0x24: {  	s3 =	sadd.s32 $0x88, s3;
	s6 =	simm.s32 @!p1 $0x1082;
	[sflag:s4] =	ssyncset.s32 $0xFFFFF086  }
0x25: {  	[simem:s6], [sflag:s4] =	dma.local [hbm:s3], $0xF7A  }
0x26: {  	[smem:$0x3F9B] =	sst s1;
	(tag) =	ssettag s2;
	_ =	strace s9  }
0x27: {  	s1 =	sld [smem:$0x3FAB]  }
0x28: {  	s2 =	sld [smem:$0x3FAC]  }
0x29: {  	s4 =	sld [smem:$0x3FAE]  }
0x2a: {  	p0 =	seq.s32 s5, $0x0;
	s5 =	sld [smem:$0x3FAF]  }
0x2b: {  	s6 =	sld [smem:$0x3FB0]  }
0x2c: {  	s7 =	sld [smem:$0x3FB1]  }
0x2d: {  	s3 =	simm.s32 $0x108;
	s8 =	sld [smem:$0x3FB2]  }
0x2e: {  	s3 =	simm.s32 @!p0 $0x1082;
	s9 =	sld [smem:$0x3FB3]  }
0x2f: {  	lr =	sadd.s32 s0, s3;
	s0 =	sld [smem:$0x3FAA]  }
0x30: {  	s3 =	sld [smem:$0x3FAD]  }
0x31: {  	[smem:$0x3FB6] =	sst s10  }
0x32: {  	s10 =	sld [smem:$0x3FB4];
	_ =	sdelay $0x3  }
0x33: {  	p0 =	seq.s32 s10, $0x1;
	s10 =	sld [smem:$0x3FB6];
	_ =	sdelay $0x3  }
0x34: {  	[smem:$0x3FB6] =	sst s10  }
0x35: {  	s10 =	sld [smem:$0x3FB5];
	_ =	sdelay $0x3  }
0x36: {  	p1 =	seq.s32 s10, $0x1;
	s10 =	sld [smem:$0x3FB6];
	_ =	sdelay $0x3  }
0x37: {  	[smem:$0x3FB6] =	sst s10  }
0x38: {  	s10 =	sld [smem:$0x3FB7]  }
0x39: {  	_ = 	snop;
	(pc) =	sbr.ind lr, $3  }
0x3a: {  	_ = 	snop  }
0x3b: {  	_ = 	snop  }
0x3c: {  	p2 =	seq.s32 s10, $0x1;
	s10 =	sld [smem:$0x3FB6]  }
0x3d: {  	_ =	shalt  }
0x3e: {  	_ =	shalt  }
0x3f: {  	_ =	shalt  }
0x40: {  	_ =	shalt  }
0x41: {  	_ =	shalt  }
0x42: {  	_ =	shalt  }
0x43: {  	_ =	shalt  }
0x44: {  	_ =	shalt  }
0x45: {  	_ =	shalt  }
0x46: {  	_ =	shalt  }
0x47: {  	_ =	shalt  }
0x48: {  	_ =	shalt  }
0x49: {  	_ =	shalt  }
0x4a: {  	_ =	shalt  }
0x4b: {  	_ =	shalt  }
0x4c: {  	_ =	shalt  }
0x4d: {  	_ =	shalt  }
0x4e: {  	_ =	shalt  }
0x4f: {  	_ =	shalt  }
0x50: {  	_ =	shalt  }
0x51: {  	_ =	shalt  }
0x52: {  	_ =	shalt  }
0x53: {  	_ =	shalt  }
0x54: {  	_ =	shalt  }
0x55: {  	_ =	shalt  }
0x56: {  	_ =	shalt  }
0x57: {  	_ =	shalt  }
0x58: {  	_ =	shalt  }
0x59: {  	_ =	shalt  }
0x5a: {  	_ =	shalt  }
0x5b: {  	_ =	shalt  }
0x5c: {  	_ =	shalt  }
0x5d: {  	_ =	shalt  }
0x5e: {  	_ =	shalt  }
0x5f: {  	_ =	shalt  }
0x60: {  	_ =	shalt  }
0x61: {  	_ =	shalt  }
0x62: {  	_ =	shalt  }
0x63: {  	_ =	shalt  }
0x64: {  	_ =	shalt  }
0x65: {  	_ =	shalt  }
0x66: {  	_ =	shalt  }
0x67: {  	_ =	shalt  }
0x68: {  	_ =	shalt  }
0x69: {  	_ =	shalt  }
0x6a: {  	_ =	shalt  }
0x6b: {  	_ =	shalt  }
0x6c: {  	_ =	shalt  }
0x6d: {  	_ =	shalt  }
0x6e: {  	_ =	shalt  }
0x6f: {  	_ =	shalt  }
0x70: {  	_ =	shalt  }
0x71: {  	_ =	shalt  }
0x72: {  	_ =	shalt  }
0x73: {  	_ =	shalt  }
0x74: {  	_ =	shalt  }
0x75: {  	_ =	shalt  }
0x76: {  	_ =	shalt  }
0x77: {  	_ =	shalt  }
0x78: {  	_ =	shalt  }
0x79: {  	_ =	shalt  }
0x7a: {  	_ =	shalt  }
0x7b: {  	_ =	shalt  }
0x7c: {  	_ =	shalt  }
0x7d: {  	_ =	shalt  }
0x7e: {  	_ =	shalt  }
0x7f: {  	_ =	shalt  }
0x80: {  	_ =	shalt  }
0x81: {  	_ =	shalt  }
0x82: {  	_ =	shalt  }
0x83: {  	_ =	shalt  }
0x84: {  	_ =	shalt  }
0x85: {  	_ =	shalt  }
0x86: {  	_ =	shalt  }
0x87: {  	_ =	shalt  }
.Lfunc_end0:
.L_simem_size_0:
called_computation_lowered:
.L_overlay_start_0:
0x88: {  	s2 =	sld [smem:$0x3FD9]  }
0x89: {  	s3 =	sld [smem:$0x3FFE];
	_ =	sdelay $0x1  }
0x8a: {  	s1 =	srdreg.scid  }
0x8b: {  	s0 =	sand.u32 $0x1, s1  }
0x8c: {  	s17 =	sshll.u32 s0, $0xA;
	s2 =	sadd.s32 s3, s2  }
0x8d: {  	s2 =	sadd.s32 s2, s17  }
0x8e: {  	[smem:$0x3FC2] =	sst s2  }
0x8f: {  	_ = 	snop  }
0x90: {  	s2 =	sld [smem:$0x3FD0];
	(tm) =	ssettm $0x1  }
0x91: {  	s18 =	sld [smem:$0x3FFB];
	_ =	sdelay $0x3  }
0x92: {  	_ =	strace s18  }
0x93: {  	s3 =	sld [smem:$0x3FFC];
	_ =	sdelay $0x3  }
0x94: {  	_ =	strace s3  }
0x95: {  	s3 =	sld [smem:$0x3FFD];
	_ =	sdelay $0x3  }
0x96: {  	_ =	strace s3  }
0x97: {  	_ =	strace $0x8FFFFFFF  }
0x98: {  	s19 =	sld [smem:$0x3FDB];
	_ =	sdelay $0x1  }
0x99: {  	s4 =	simm.s32 $_scs_section_size  }
0x9a: {  	s5 =	simm.s32 $_size__tile_overlayer_lowered;
	s6 =	simm.s32 $_tile_overlayer_lowered  }
0x9b: {  	s22 =	simm.s32 $0x1BFF;
	s21 =	sshll.u32 s6, $0x1;
	s3 =	sadd.s32 s4, s19  }
0x9c: {  	s7 =	simm.s32 $0x0;
	s20 =	sshll.u32 s5, $0x1;
	s5 =	sadd.s32 s21, s3  }
0x9d: {  	[timem:s7], [sflag:s22] =	dma.local [hbm:s5], s20  }
0x9e: {  	_ =	swait.ge [sflag:s22], s20  }
0x9f: {  	s4 =	ssub.s32 $0x0, s20;
	[sflag:s22] =	ssyncset.done $0x0  }
0xa0: {  	[sflag:s22] =	ssyncadd.s32 s4;
	_ =	sdelay $0x1  }
0xa1: {  	s23 =	simm.s32 $0x1B8B  }
0xa2: {  	_ =	swait.ge [sflag:s23], $0x1  }
0xa3: {  	[sflag:s23] =	ssyncset.done $0x0  }
0xa4: {  	s25 =	simm.s32 $0x1B8E;
	s24 =	sld [smem:$0x3FFE];
	[sflag:s23] =	ssyncadd.s32 $0xFFFFFFFF  }
0xa5: {  	s26 =	simm.s32 $execute0_lowered;
	[smem:$0x3FD2] =	sst s25  }
0xa6: {  	s5 =	sshll.u32 s26, $0x1;
	_ =	strace $0x80000046;
	[dreg:$0x1] =	wrdreg $0xFFFFFFFF  }
0xa7: {  	s28 =	simm.s32 $_size_execute0_lowered;
	s3 =	sadd.s32 s3, s5;
	[dreg:$0x0] =	wrdreg $0x0  }
0xa8: {  	s5 =	sshll.u32 s28, $0x1;
	[dreg:$0x2] =	wrdreg s3  }
0xa9: {  	[dreg:$0x3] =	wrdreg s5  }
0xaa: {  	[dreg:$0x4] =	wrdreg $0xC0  }
0xab: {  	_ =	task [dreg:s7], $0x5FFFF  }
0xac: {  	[dreg:$0x1] =	wrdreg $0xFFFFFFFF  }
0xad: {  	[dreg:$0x0] =	wrdreg $0x60  }
0xae: {  	[dreg:$0x2] =	wrdreg s24  }
0xaf: {  	[dreg:$0x3] =	wrdreg s2  }
0xb0: {  	[dreg:$0x4] =	wrdreg $0x9  }
0xb1: {  	_ =	task.clear_ibuf [dreg:s7], $0x5FFFF;
	_ =	strace $0x90000046  }
0xb2: {  	s29 =	simm.s32 $0x9;
	_ =	strace $0x80000048  }
0xb3: {  	_ =	swait.ge [sflag:s29], $0x1  }
0xb4: {  	[sflag:s29] =	ssyncadd.s32 $0xFFFFFFFF  }
0xb5: {  	_ =	strace $0x90000048  }
0xb6: {  	_ =	sfence  }
0xb7: {  	s30 =	sld [smem:$0x0];
	_ =	sdelay $0x2  }
0xb8: {  	s31 =	sshll.u32 s1, $0xD;
	s1 =	sshrl.u32 s1, $0x2  }
0xb9: {  	s3 =	sand.u32 $0x4000, s31;
	s1 =	sadd.s32 s1, s30  }
0xba: {  	s0 =	sor.u32 s3, s0;
	s1 =	sshll.u32 s1, $0x11  }
0xbb: {  	s0 =	sor.u32 s1, s0  }
0xbc: {  	s0 =	sadd.s32 $0x8F2B, s0  }
0xbd: {  	[sflag:s0] =	ssyncadd.remote.s32 $0x1  }
0xbe: {  	_ =	sfence.sel $0xFFFF  }
0xbf: {  	[dreg:$0x0] =	wrdreg $0xFFFFFFFF;
	(pc) =	sbr.abs _section_cstart, $3  }
0xc0: {  	[dreg:$0x1] =	wrdreg $0xFFFFFFFF  }
0xc1: {  	_ =	task.clear_ibuf [dreg:s7], $0x2FFFF;
	_ =	strace $0x9FFFFFFF  }
0xc2: {  	(tm) =	ssettm $0x7FFFFFFF  }
0xc3: {  	_ =	shalt  }
tec
execute0_lowered:
.L_overlay_start_1:
0x0: {  	(tag) =	ssettag $0x1  }
0x1: {  	v0 =	vimm.s32 $0xEDCBA987  }
0x2: {  	v1 =	vimm.s32 $0x65432100;
	v2 =	vimm.s32 $0x54321000;
	v3 =	vimm.s32 $0xDCBA9876  }
0x3: {  	v4 =	vimm.s32 $0xE40000;
	v5 =	vimm.s32 $0xBA987654;
	v0 =	vunpack.c.l.s4.s8 v0  }
0x4: {  	v6 =	vimm.s32 $0x7060504;
	v7 =	vimm.s32 $0xFFEDCBA9;
	v1 =	vunpack.c.l.s4.s8 v1  }
0x5: {  	v8 =	vimm.s32 $0x87654321;
	vm0 =	vcmask $0x3F30;
	v0 =	vunpack.c.0.s8.s32 v0  }
0x6: {  	s1 =	srdreg.scid;
	s3 =	rddreg [dreg:$0x0];
	vm1 =	vcmask $0x3F08;
	v4 =	vunpack.c.l.s2.s4 v4;
	v1 =	vunpack.c.0.s8.s32 v1  }
0x7: {  	s0 =	stileid.u32;
	s5 =	rddreg [dreg:$0x1];
	s2 =	simm.s32 $0x0;
	v3 =	vunpack.c.l.s4.s8 v3;
	v6 =	vunpack.c.0.s8.s32 v6;
	v0 =	vand.u32 $0xF, v0  }
0x8: {  	s11 =	simm.s32 $0x400;
	s4 =	sand.u32 $0x1, s1;
	s1 =	rddreg [dreg:$0x2];
	v7 =	vunpack.c.l.s4.s8 v7;
	v4 =	vunpack.c.l.s4.s8 v4;
	v0 =	vcombine.low v1, v0  }
0x9: {  	s12 =	simm.s32 $0x0;
	s30 =	sshll.u32 s0, $0x1;
	[smem:$0x7FF] =	sst s2;
	v1 =	vunpack.c.l.s4.s8 v2;
	v2 =	vunpack.c.l.s4.s8 v5;
	v5 =	vimm.s32 $0x32100000  }
0xa: {  	s9 =	sshll.u32 s0, $0x8;
	s6 =	sor.u32 s4, s30;
	_ =	strace $0x80000047;
	v3 =	vunpack.c.0.s8.s32 v3;
	v4 =	vunpack.c.0.s8.s32 v4;
	v5 =	vunpack.c.l.s4.s8 v5  }
0xb: {  	v8 =	vunpack.c.l.s4.s8 v8;
	s9 =	sand.u32 $0xC00, s9;
	s4 =	ssub.s32 $0x2, s4;
	s7 =	smul.u32 $0x190, s6;
	v1 =	vunpack.c.0.s8.s32 v1;
	v2 =	vunpack.c.0.s8.s32 v2  }
0xc: {  	s6 =	sshll.u32 s6, $0x4;
	s9 =	sadd.s32 s9, s3;
	s31 =	sshrl.u32 s4, $0x1;
	v3 =	vand.u32 $0xF, v3;
	v4 =	vand.u32 $0x3, v4;
	v5 =	vunpack.c.0.s8.s32 v5  }
0xd: {  	s6 =	sand.u32 $0x70, s6;
	s10 =	ssub.s32 s4, s31;
	s8 =	sadd.s32 s7, s3;
	v2 =	vand.u32 $0xF, v2;
	v1 =	vcombine.low v1, v3;
	v3 =	vsel vm0, v6, v4  }
0xe: {  	s6 =	sadd.s32 s6, s9;
	s4 =	sadd.s32 s5, s7;
	s7 =	simm.s32 $0x1;
	v6 =	vunpack.c.0.s8.s32 v8;
	v2 =	vcombine.low v5, v2;
	v5 =	vunpack.c.0.s8.s32 v7  }
0xf: {  	vm2 =	vcmask $0x3F10;
	vm3 =	vcmask $0x3F20;
	vm4 =	vcmask $0x3F3C;
	s9 =	simm.s32 $0x1900;
	s3 =	sadd.s32 $0x1400, s8;
	s5 =	sadd.s32 $0x4600, s6  }
0x10: {  	s6 =	smax.u32 s10, $0x1;
	s8 =	simm.s32 $0xC80;
	s10 =	simm.s32 $0x80;
	v4 =	vimm.f32 $-3.000000010e+38;
	vm0 =	vcmask $0x3F04;
	v5 =	vcombine.low v6, v5  }
.LBB2_1:
0x11: {  	[tilespmem:s2], [sflag:$0x1] =	stream.linear.gather [hbm4b:s3+s2], $0xC80, $0x38;
	[tilespmem:$0x1D00] =	vst v63  }
0x12: {  	_ =	swait.ge [sflag:s7], $0xC80  }
0x13: {  	[sflag:s7] =	ssyncset.done $0x0  }
0x14: {  	[sflag:s7] =	ssyncadd.s32 $0xFFFFF380  }
0x15: {  	[tilespmem:s8], [sflag:$0x1] =	stream.linear.gather [hbm4b:s4+s2], $0xC80, $0x38;
	[tilespmem:$0x1D00] =	vst v63  }
0x16: {  	_ =	swait.ge [sflag:s7], $0xC80  }
0x17: {  	[sflag:s7] =	ssyncset.done $0x0  }
0x18: {  	s13 =	simm.s32 $0x0;
	[sflag:s7] =	ssyncadd.s32 $0xFFFFF380  }
.LBB2_2:
0x19: {  	p0 =	sne.s32 s13, $0xFC0  }
.Ltmp0:
0x1a: {  	_ = 	snop;
	(pc) =	sbr.rel @p0 .LBB2_2-.Ltmp0, $3  }
0x1b: {  	_ =	sdelay $0x1  }
0x1c: {  	s14 =	sshra.s32 s13, $0x2  }
0x1d: {  	s13 =	sadd.s32 $0x40, s13;
	[tilespmem:s14+$0x1900] =	vst v4  }
0x1e: {  	s14 =	simm.s32 $0x0;
	s13 =	simm.s32 $0x40  }
.LBB2_4:
0x1f: {  	p0 =	sne.s32 s13, $0x31C0;
	v6 =	vld [tilespmem:s14+$0xC80]  }
0x20: {  	v7 =	vld [tilespmem:s14+$0x0];
	_ =	sdelay $0x3  }
0x21: {  	v8 =	vperm.xlane v6, v0  }
0x22: {  	v9 =	vperm.xlane v7, v0  }
0x23: {  	vm5 =	veq.s32 v6, v8  }
0x24: {  	vm5 =	vmand vm5, vm0;
	v8 =	vmax.f32 v7, v9  }
0x25: {  	v7 =	vsel vm5, v8, v7;
	v8 =	vperm.xlane v6, v1  }
0x26: {  	v9 =	vperm.xlane v7, v1  }
0x27: {  	vm5 =	veq.s32 v6, v8  }
0x28: {  	vm5 =	vmand vm5, vm1;
	v8 =	vmax.f32 v7, v9  }
0x29: {  	v7 =	vsel vm5, v8, v7;
	v8 =	vperm.xlane v6, v2  }
0x2a: {  	v10 =	vperm.xlane v6, v5;
	v9 =	vperm.xlane v7, v2  }
0x2b: {  	vm5 =	veq.s32 v6, v8  }
0x2c: {  	vm6 =	vne.s32 v6, v10;
	vm5 =	vmand vm5, vm2;
	v8 =	vmax.f32 v7, v9;
	v9 =	vld.idx.msk [tilespmem:v6+s9+$0x0], $0xffff  }
0x2d: {  	v7 =	vsel vm5, v8, v7;
	v8 =	vperm.xlane v6, v3;
	vm5 =	vmor vm6, vm4  }
0x2e: {  	v10 =	vperm.xlane v7, v3  }
.Ltmp1:
0x2f: {  	vm6 =	veq.s32 v6, v8;
	(pc) =	sbr.rel @p0 .LBB2_4-.Ltmp1, $4  }
0x30: {  	vm6 =	vmand vm6, vm3;
	v8 =	vmax.f32 v7, v10  }
0x31: {  	v7 =	vsel vm6, v8, v7  }
0x32: {  	v7 =	vmax.f32 v9, v7  }
0x33: {  	s14 =	sshra.s32 s13, $0x2;
	s13 =	sadd.s32 $0x40, s13;
	[tilespmem:v6+s9+$0x0] =	vst.idx.msk vm5, v7  }
0x34: {  	v6 =	vld [tilespmem:s14+$0xC80]  }
0x35: {  	v7 =	vld [tilespmem:s14+$0x0];
	_ =	sdelay $0x3  }
0x36: {  	v8 =	vperm.xlane v6, v0  }
0x37: {  	v9 =	vperm.xlane v7, v0  }
0x38: {  	vm5 =	veq.s32 v6, v8  }
0x39: {  	v53 =	vmax.f32 v7, v9;
	vm5 =	vmand vm5, vm0  }
0x3a: {  	v54 =	vperm.xlane v6, v1;
	v7 =	vsel vm5, v53, v7  }
0x3b: {  	v55 =	vperm.xlane v7, v1  }
0x3c: {  	vm5 =	veq.s32 v6, v54  }
0x3d: {  	vm5 =	vmand vm5, vm1;
	v56 =	vmax.f32 v7, v55  }
0x3e: {  	v57 =	vperm.xlane v6, v2;
	v7 =	vsel vm5, v56, v7  }
0x3f: {  	v10 =	vperm.xlane v6, v5;
	v58 =	vperm.xlane v7, v2  }
0x40: {  	vm5 =	veq.s32 v6, v57  }
0x41: {  	vm6 =	vne.s32 v6, v10;
	vm5 =	vmand vm5, vm2;
	v59 =	vmax.f32 v7, v58  }
0x42: {  	v61 =	vperm.xlane v6, v3;
	v60 =	vld.idx.msk [tilespmem:v6+s9+$0x0], $0xffff;
	v7 =	vsel vm5, v59, v7;
	vm5 =	vmor vm6, vm4  }
0x43: {  	v62 =	vperm.xlane v7, v3  }
0x44: {  	vm6 =	veq.s32 v6, v61  }
0x45: {  	vm6 =	vmand vm6, vm3;
	v63 =	vmax.f32 v7, v62  }
0x46: {  	s12 =	sadd.s32 $0x1, s12;
	v7 =	vsel vm6, v63, v7  }
0x47: {  	p0 =	sne.s32 s12, s6;
	v7 =	vmax.f32 v60, v7  }
.Ltmp2:
0x48: {  	[tilespmem:v6+s9+$0x0] =	vst.idx.msk vm5, v7;
	(pc) =	sbr.rel @p0 .LBB2_1-.Ltmp2, $4  }
0x49: {  	[hbm4b:s5+s10] =	stream.strided.scatter [tilespmem:s9], [sflag:$0x1], $0x400, s11, s10, $0x38;
	[tilespmem:$0x1D00] =	vst v63  }
0x4a: {  	_ =	swait.ge [sflag:s7], $0x400  }
0x4b: {  	[sflag:s7] =	ssyncset.done $0x0  }
0x4c: {  	[sflag:s7] =	ssyncadd.s32 $0xFFFFFC00  }
0x4d: {  	_ =	sfence.sel $0x180000  }
0x4e: {  	[bflag:$0x0] =	sbarrier.arrive $0xFFFF  }
0x4f: {  	p0 =	sne.s32 s0, $0x0;
	_ =	strace $0x90000047  }
0x50: {  	s0 =	sadd.s32 @!p0 $0x100000, s1;
	[bflag:$0x2] =	sbarrier.arrive $0xFFFF  }
0x51: {  	[sflag:s0] =	ssyncadd.tile.s32 @!p0 $0x1;
	_ =	shalt  }
.Lfunc_end2:
_tile_overlayer_lowered:
.L_overlay_start_2:
0x52: {  	(tag) =	ssettag $0x2  }
0x53: {  	s0 =	rddreg [dreg:$0x0];
	s2 =	stileid.u32  }
0x54: {  	s1 =	rddreg [dreg:$0x1];
	p0 =	sne.s32 s2, $0x0  }
0x55: {  	s3 =	rddreg [dreg:$0x2];
	[bflag:$0x3] =	sbarrier.arrive $0xFFFF;
	s2 =	simm.s32 @!p0 $0x1C01  }
0x56: {  	[timem:s3], [sflag:s2] =	dma.local @!p0 [hbm:s0], s1  }
0x57: {  	s0 =	simm.s32 @!p0 $0x1  }
0x58: {  	_ =	swait.ge @!p0 [sflag:s0], s1  }
0x59: {  	s1 =	ssub.s32 @!p0 $0x0, s1;
	[sflag:s0] =	ssyncset.done @!p0 $0x0  }
0x5a: {  	[sflag:s0] =	ssyncadd.s32 @!p0 s1  }
0x5b: {  	[bflag:$0x3] =	sbarrier.arrive $0xFFFF  }
0x5c: {  	_ =	shalt  }

// kernel: kernel.9.cloned.1.call-start
scs
__scs_entry_jumppad:
0x0: {  	(pc) =	sbr.rel $0x88, $3  }
0x1: {  	(tag) =	ssettag $0x0;
	lr =	simm.s32 $0x1  }
0x2: {  	[smem:$0x3F9B] =	sst lr;
	_ =	strace $0xD0000000  }
0x3: {  	_ = 	snop  }
0x4: {  	_ = 	snop  }
0x5: {  	_ = 	snop  }
0x6: {  	_ = 	snop  }
0x7: {  	_ = 	snop  }
__scs_overlays_trampoline_lowered:
0x8: {  	[smem:$0x3FAA] =	sst s0  }
0x9: {  	[smem:$0x3FAB] =	sst s1  }
0xa: {  	[smem:$0x3FAC] =	sst s2  }
0xb: {  	[smem:$0x3FAD] =	sst s3  }
0xc: {  	[smem:$0x3FAE] =	sst s4  }
0xd: {  	[smem:$0x3FAF] =	sst s5  }
0xe: {  	[smem:$0x3FB0] =	sst s6  }
0xf: {  	[smem:$0x3FB1] =	sst s7  }
0x10: {  	[smem:$0x3FB2] =	sst s8  }
0x11: {  	[smem:$0x3FB3] =	sst s9;
	s0 =	simm.s32 @!p0 $0x0  }
0x12: {  	s1 =	sld [smem:$0x3F99];
	s0 =	simm.s32 @p0 $0x1  }
0x13: {  	[smem:$0x3FB4] =	sst s0;
	s0 =	simm.s32 @!p1 $0x0  }
0x14: {  	s2 =	sld [smem:$0x3F98];
	s0 =	simm.s32 @p1 $0x1  }
0x15: {  	[smem:$0x3FB5] =	sst s0;
	s0 =	simm.s32 @!p2 $0x0  }
0x16: {  	s3 =	sld [smem:$0x3FDB];
	s0 =	simm.s32 @p2 $0x1  }
0x17: {  	s4 =	simm.s32 $0x1BF5;
	[smem:$0x3FB7] =	sst s0  }
0x18: {  	s0 =	sld [smem:$0x3F9A];
	_ =	swait.ge [sflag:s4], $0x0  }
0x19: {  	s7 =	sld [smem:$0x3F9B]  }
0x1a: {  	s8 =	sadd.s32 $0xFFFFE003, lr  }
0x1b: {  	s9 =	sadd.s32 $0xFFFFFEF7, lr;
	s5 =	simm.s32 $0xFFFFFFFF;
	p2 =	slt.u32 s8, $0xFFFFF086  }
0x1c: {  	p1 =	slt.u32 s9, $0xF7A;
	s5 =	simm.s32 @!p2 $0x0  }
0x1d: {  	s5 =	simm.s32 @p1 $0x1;
	p0 =	seq.s32 s7, s2  }
0x1e: {  	s7 =	smul.u32 @!p0 $0xF7A, s2;
	p2 =	seq.s32 @!p0 s5, $0x0  }
0x1f: {  	s9 =	smul.u32 $0xF7A, s1;
	s8 =	simm.s32 @!p0 $0x1BF5;
	p2 =	por !p2, p0  }
0x20: {  	[sflag:s8] =	ssyncset.s32 @!p0 $0xFFFFF086;
	s6 =	sadd.s32 @!p0 s3, s7;
	s7 =	simm.s32 @!p0 $0x108  }
0x21: {  	s3 =	sadd.s32 s3, s9;
	s6 =	sadd.s32 @!p0 $0x88, s6;
	s7 =	simm.s32 @p2 $0x1082  }
0x22: {  	[simem:s7], [sflag:s8] =	dma.local @!p0 [hbm:s6], $0xF7A  }
0x23: {  	s9 =	sor.u32 $0xD0000000, s2;
	s6 =	simm.s32 $0x108;
	_ =	swait.ge @!p0 [sflag:s8], $0x0  }
0x24: {  	s3 =	sadd.s32 $0x88, s3;
	s6 =	simm.s32 @!p1 $0x1082;
	[sflag:s4] =	ssyncset.s32 $0xFFFFF086  }
0x25: {  	[simem:s6], [sflag:s4] =	dma.local [hbm:s3], $0xF7A  }
0x26: {  	[smem:$0x3F9B] =	sst s1;
	(tag) =	ssettag s2;
	_ =	strace s9  }
0x27: {  	s1 =	sld [smem:$0x3FAB]  }
0x28: {  	s2 =	sld [smem:$0x3FAC]  }
0x29: {  	s4 =	sld [smem:$0x3FAE]  }
0x2a: {  	p0 =	seq.s32 s5, $0x0;
	s5 =	sld [smem:$0x3FAF]  }
0x2b: {  	s6 =	sld [smem:$0x3FB0]  }
0x2c: {  	s7 =	sld [smem:$0x3FB1]  }
0x2d: {  	s3 =	simm.s32 $0x108;
	s8 =	sld [smem:$0x3FB2]  }
0x2e: {  	s3 =	simm.s32 @!p0 $0x1082;
	s9 =	sld [smem:$0x3FB3]  }
0x2f: {  	lr =	sadd.s32 s0, s3;
	s0 =	sld [smem:$0x3FAA]  }
0x30: {  	s3 =	sld [smem:$0x3FAD]  }
0x31: {  	[smem:$0x3FB6] =	sst s10  }
0x32: {  	s10 =	sld [smem:$0x3FB4];
	_ =	sdelay $0x3  }
0x33: {  	p0 =	seq.s32 s10, $0x1;
	s10 =	sld [smem:$0x3FB6];
	_ =	sdelay $0x3  }
0x34: {  	[smem:$0x3FB6] =	sst s10  }
0x35: {  	s10 =	sld [smem:$0x3FB5];
	_ =	sdelay $0x3  }
0x36: {  	p1 =	seq.s32 s10, $0x1;
	s10 =	sld [smem:$0x3FB6];
	_ =	sdelay $0x3  }
0x37: {  	[smem:$0x3FB6] =	sst s10  }
0x38: {  	s10 =	sld [smem:$0x3FB7]  }
0x39: {  	_ = 	snop;
	(pc) =	sbr.ind lr, $3  }
0x3a: {  	_ = 	snop  }
0x3b: {  	_ = 	snop  }
0x3c: {  	p2 =	seq.s32 s10, $0x1;
	s10 =	sld [smem:$0x3FB6]  }
0x3d: {  	_ =	shalt  }
0x3e: {  	_ =	shalt  }
0x3f: {  	_ =	shalt  }
0x40: {  	_ =	shalt  }
0x41: {  	_ =	shalt  }
0x42: {  	_ =	shalt  }
0x43: {  	_ =	shalt  }
0x44: {  	_ =	shalt  }
0x45: {  	_ =	shalt  }
0x46: {  	_ =	shalt  }
0x47: {  	_ =	shalt  }
0x48: {  	_ =	shalt  }
0x49: {  	_ =	shalt  }
0x4a: {  	_ =	shalt  }
0x4b: {  	_ =	shalt  }
0x4c: {  	_ =	shalt  }
0x4d: {  	_ =	shalt  }
0x4e: {  	_ =	shalt  }
0x4f: {  	_ =	shalt  }
0x50: {  	_ =	shalt  }
0x51: {  	_ =	shalt  }
0x52: {  	_ =	shalt  }
0x53: {  	_ =	shalt  }
0x54: {  	_ =	shalt  }
0x55: {  	_ =	shalt  }
0x56: {  	_ =	shalt  }
0x57: {  	_ =	shalt  }
0x58: {  	_ =	shalt  }
0x59: {  	_ =	shalt  }
0x5a: {  	_ =	shalt  }
0x5b: {  	_ =	shalt  }
0x5c: {  	_ =	shalt  }
0x5d: {  	_ =	shalt  }
0x5e: {  	_ =	shalt  }
0x5f: {  	_ =	shalt  }
0x60: {  	_ =	shalt  }
0x61: {  	_ =	shalt  }
0x62: {  	_ =	shalt  }
0x63: {  	_ =	shalt  }
0x64: {  	_ =	shalt  }
0x65: {  	_ =	shalt  }
0x66: {  	_ =	shalt  }
0x67: {  	_ =	shalt  }
0x68: {  	_ =	shalt  }
0x69: {  	_ =	shalt  }
0x6a: {  	_ =	shalt  }
0x6b: {  	_ =	shalt  }
0x6c: {  	_ =	shalt  }
0x6d: {  	_ =	shalt  }
0x6e: {  	_ =	shalt  }
0x6f: {  	_ =	shalt  }
0x70: {  	_ =	shalt  }
0x71: {  	_ =	shalt  }
0x72: {  	_ =	shalt  }
0x73: {  	_ =	shalt  }
0x74: {  	_ =	shalt  }
0x75: {  	_ =	shalt  }
0x76: {  	_ =	shalt  }
0x77: {  	_ =	shalt  }
0x78: {  	_ =	shalt  }
0x79: {  	_ =	shalt  }
0x7a: {  	_ =	shalt  }
0x7b: {  	_ =	shalt  }
0x7c: {  	_ =	shalt  }
0x7d: {  	_ =	shalt  }
0x7e: {  	_ =	shalt  }
0x7f: {  	_ =	shalt  }
0x80: {  	_ =	shalt  }
0x81: {  	_ =	shalt  }
0x82: {  	_ =	shalt  }
0x83: {  	_ =	shalt  }
0x84: {  	_ =	shalt  }
0x85: {  	_ =	shalt  }
0x86: {  	_ =	shalt  }
0x87: {  	_ =	shalt  }
.Lfunc_end0:
.L_simem_size_0:
called_computation.1_lowered:
.L_overlay_start_0:
0x88: {  	s2 =	sld [smem:$0x3FD9]  }
0x89: {  	s3 =	sld [smem:$0x3FFE];
	_ =	sdelay $0x1  }
0x8a: {  	s1 =	srdreg.scid  }
0x8b: {  	s0 =	sand.u32 $0x1, s1  }
0x8c: {  	s17 =	sshll.u32 s0, $0xA;
	s2 =	sadd.s32 s3, s2  }
0x8d: {  	s2 =	sadd.s32 s2, s17  }
0x8e: {  	[smem:$0x3FC2] =	sst s2  }
0x8f: {  	_ = 	snop  }
0x90: {  	s2 =	sld [smem:$0x3FD0];
	(tm) =	ssettm $0x1  }
0x91: {  	s18 =	sld [smem:$0x3FFB];
	_ =	sdelay $0x3  }
0x92: {  	_ =	strace s18  }
0x93: {  	s3 =	sld [smem:$0x3FFC];
	_ =	sdelay $0x3  }
0x94: {  	_ =	strace s3  }
0x95: {  	s3 =	sld [smem:$0x3FFD];
	_ =	sdelay $0x3  }
0x96: {  	_ =	strace s3  }
0x97: {  	_ =	strace $0x8FFFFFFF  }
0x98: {  	s19 =	sld [smem:$0x3FDB];
	_ =	sdelay $0x1  }
0x99: {  	s4 =	simm.s32 $_scs_section_size  }
0x9a: {  	s5 =	simm.s32 $_size__tile_overlayer_lowered;
	s6 =	simm.s32 $_tile_overlayer_lowered  }
0x9b: {  	s22 =	simm.s32 $0x1BFF;
	s21 =	sshll.u32 s6, $0x1;
	s3 =	sadd.s32 s4, s19  }
0x9c: {  	s7 =	simm.s32 $0x0;
	s20 =	sshll.u32 s5, $0x1;
	s5 =	sadd.s32 s21, s3  }
0x9d: {  	[timem:s7], [sflag:s22] =	dma.local [hbm:s5], s20  }
0x9e: {  	_ =	swait.ge [sflag:s22], s20  }
0x9f: {  	s4 =	ssub.s32 $0x0, s20;
	[sflag:s22] =	ssyncset.done $0x0  }
0xa0: {  	[sflag:s22] =	ssyncadd.s32 s4;
	_ =	sdelay $0x1  }
0xa1: {  	s23 =	simm.s32 $0x1B8B  }
0xa2: {  	_ =	swait.ge [sflag:s23], $0x1  }
0xa3: {  	[sflag:s23] =	ssyncset.done $0x0  }
0xa4: {  	s25 =	simm.s32 $0x1B8E;
	s24 =	sld [smem:$0x3FFE];
	[sflag:s23] =	ssyncadd.s32 $0xFFFFFFFF  }
0xa5: {  	s26 =	simm.s32 $execute0_lowered;
	[smem:$0x3FD2] =	sst s25  }
0xa6: {  	s5 =	sshll.u32 s26, $0x1;
	_ =	strace $0x80000049;
	[dreg:$0x1] =	wrdreg $0xFFFFFFFF  }
0xa7: {  	s28 =	simm.s32 $_size_execute0_lowered;
	s3 =	sadd.s32 s3, s5;
	[dreg:$0x0] =	wrdreg $0x0  }
0xa8: {  	s5 =	sshll.u32 s28, $0x1;
	[dreg:$0x2] =	wrdreg s3  }
0xa9: {  	[dreg:$0x3] =	wrdreg s5  }
0xaa: {  	[dreg:$0x4] =	wrdreg $0xC0  }
0xab: {  	_ =	task [dreg:s7], $0x5FFFF  }
0xac: {  	[dreg:$0x1] =	wrdreg $0xFFFFFFFF  }
0xad: {  	[dreg:$0x0] =	wrdreg $0x60  }
0xae: {  	[dreg:$0x2] =	wrdreg s24  }
0xaf: {  	[dreg:$0x3] =	wrdreg s2  }
0xb0: {  	[dreg:$0x4] =	wrdreg $0x9  }
0xb1: {  	_ =	task.clear_ibuf [dreg:s7], $0x5FFFF;
	_ =	strace $0x90000049  }
0xb2: {  	s29 =	simm.s32 $0x9;
	_ =	strace $0x8000004B  }
0xb3: {  	_ =	swait.ge [sflag:s29], $0x1  }
0xb4: {  	[sflag:s29] =	ssyncadd.s32 $0xFFFFFFFF  }
0xb5: {  	_ =	strace $0x9000004B  }
0xb6: {  	_ =	sfence  }
0xb7: {  	s30 =	sld [smem:$0x0];
	_ =	sdelay $0x2  }
0xb8: {  	s31 =	sshll.u32 s1, $0xD;
	s1 =	sshrl.u32 s1, $0x2  }
0xb9: {  	s3 =	sand.u32 $0x4000, s31;
	s1 =	sadd.s32 s1, s30  }
0xba: {  	s0 =	sor.u32 s3, s0;
	s1 =	sshll.u32 s1, $0x11  }
0xbb: {  	s0 =	sor.u32 s1, s0  }
0xbc: {  	s0 =	sadd.s32 $0x8F2B, s0  }
0xbd: {  	[sflag:s0] =	ssyncadd.remote.s32 $0x1  }
0xbe: {  	_ =	sfence.sel $0xFFFF  }
0xbf: {  	[dreg:$0x0] =	wrdreg $0xFFFFFFFF;
	(pc) =	sbr.abs _section_cstart, $3  }
0xc0: {  	[dreg:$0x1] =	wrdreg $0xFFFFFFFF  }
0xc1: {  	_ =	task.clear_ibuf [dreg:s7], $0x2FFFF;
	_ =	strace $0x9FFFFFFF  }
0xc2: {  	(tm) =	ssettm $0x7FFFFFFF  }
0xc3: {  	_ =	shalt  }
tec
execute0_lowered:
.L_overlay_start_1:
0x0: {  	(tag) =	ssettag $0x1  }
0x1: {  	v0 =	vimm.s32 $0xEDCBA987  }
0x2: {  	v1 =	vimm.s32 $0x65432100;
	v2 =	vimm.s32 $0x54321000;
	v3 =	vimm.s32 $0xDCBA9876  }
0x3: {  	v4 =	vimm.s32 $0xE40000;
	v5 =	vimm.s32 $0xBA987654;
	v0 =	vunpack.c.l.s4.s8 v0  }
0x4: {  	s4 =	rddreg [dreg:$0x0];
	s1 =	srdreg.scid;
	v6 =	vimm.s32 $0x7060504;
	v7 =	vimm.s32 $0xFFEDCBA9;
	v1 =	vunpack.c.l.s4.s8 v1  }
0x5: {  	s0 =	stileid.u32;
	s5 =	rddreg [dreg:$0x1];
	v8 =	vimm.s32 $0x87654321;
	vm0 =	vcmask $0x3F30;
	v0 =	vunpack.c.0.s8.s32 v0  }
0x6: {  	s2 =	simm.s32 $0x0;
	s12 =	simm.s32 $0xA580;
	vm1 =	vcmask $0x3F08;
	s13 =	simm.s32 $0xA980;
	v4 =	vunpack.c.l.s2.s4 v4;
	v1 =	vunpack.c.0.s8.s32 v1  }
0x7: {  	s14 =	simm.s32 $0x1900;
	s15 =	simm.s32 $0x80;
	s16 =	simm.s32 $0x400;
	v3 =	vunpack.c.l.s4.s8 v3;
	v6 =	vunpack.c.0.s8.s32 v6;
	v0 =	vand.u32 $0xF, v0  }
0x8: {  	s17 =	simm.s32 $0x0;
	s6 =	sand.u32 $0x1, s1;
	s1 =	rddreg [dreg:$0x2];
	v7 =	vunpack.c.l.s4.s8 v7;
	v4 =	vunpack.c.l.s4.s8 v4;
	v0 =	vcombine.low v1, v0  }
0x9: {  	s3 =	sshll.u32 s0, $0x1;
	[smem:$0x7FF] =	sst s2;
	s10 =	sshll.u32 s0, $0x8;
	v1 =	vunpack.c.l.s4.s8 v2;
	v2 =	vunpack.c.l.s4.s8 v5;
	v5 =	vimm.s32 $0x32100000  }
0xa: {  	s7 =	sor.u32 s6, s3;
	_ =	strace $0x8000004A;
	s3 =	sadd.s32 $0x4600, s4;
	v3 =	vunpack.c.0.s8.s32 v3;
	v4 =	vunpack.c.0.s8.s32 v4;
	v5 =	vunpack.c.l.s4.s8 v5  }
0xb: {  	v8 =	vunpack.c.l.s4.s8 v8;
	s6 =	ssub.s32 $0x2, s6;
	s10 =	sand.u32 $0xC00, s10;
	s8 =	smul.u32 $0x190, s7;
	v1 =	vunpack.c.0.s8.s32 v1;
	v2 =	vunpack.c.0.s8.s32 v2  }
0xc: {  	s11 =	sshrl.u32 s6, $0x1;
	s7 =	sshll.u32 s7, $0x4;
	s10 =	sadd.s32 s10, s4;
	v3 =	vand.u32 $0xF, v3;
	v4 =	vand.u32 $0x3, v4;
	v5 =	vunpack.c.0.s8.s32 v5  }
0xd: {  	s11 =	ssub.s32 s6, s11;
	s31 =	sand.u32 $0x70, s7;
	s9 =	sadd.s32 s8, s4;
	v2 =	vand.u32 $0xF, v2;
	v1 =	vcombine.low v1, v3;
	v3 =	vsel vm0, v6, v4  }
0xe: {  	s5 =	sadd.s32 s5, s8;
	s7 =	sadd.s32 s31, s10;
	s8 =	smax.u32 s11, $0x1;
	v6 =	vunpack.c.0.s8.s32 v8;
	v2 =	vcombine.low v5, v2;
	v5 =	vunpack.c.0.s8.s32 v7  }
0xf: {  	vm2 =	vcmask $0x3F10;
	vm3 =	vcmask $0x3F20;
	vm4 =	vcmask $0x3F3C;
	s10 =	simm.s32 $0xC80;
	s11 =	simm.s32 $0x2580;
	s4 =	sadd.s32 $0x1400, s9  }
0x10: {  	s6 =	sadd.s32 $0x5600, s9;
	s7 =	sadd.s32 $0x8800, s7;
	s9 =	simm.s32 $0x1;
	v4 =	vimm.f32 $0.0e+00;
	vm0 =	vcmask $0x3F04;
	v5 =	vcombine.low v6, v5  }
.LBB2_1:
0x11: {  	[tilespmem:s2], [sflag:$0x1] =	stream.linear.gather [hbm4b:s4+s2], $0xC80, $0x38;
	[tilespmem:$0xAD80] =	vst v63  }
0x12: {  	_ =	swait.ge [sflag:s9], $0xC80  }
0x13: {  	[sflag:s9] =	ssyncset.done $0x0  }
0x14: {  	[sflag:s9] =	ssyncadd.s32 $0xFFFFF380  }
0x15: {  	[tilespmem:s10], [sflag:$0x1] =	stream.linear.gather [hbm4b:s5+s2], $0xC80, $0x38;
	[tilespmem:$0xAD80] =	vst v63  }
0x16: {  	_ =	swait.ge [sflag:s9], $0xC80  }
0x17: {  	[sflag:s9] =	ssyncset.done $0x0  }
0x18: {  	[sflag:s9] =	ssyncadd.s32 $0xFFFFF380  }
0x19: {  	[tilespmem:s11], [sflag:$0x1] =	stream.linear.gather [hbm4b:s3+s2], $0x8000, $0x38;
	[tilespmem:$0xAD80] =	vst v63  }
0x1a: {  	_ =	swait.ge [sflag:s9], $0x8000  }
0x1b: {  	[sflag:s9] =	ssyncset.done $0x0  }
0x1c: {  	s18 =	simm.s32 $0x0;
	[sflag:s9] =	ssyncadd.s32 $0xFFFF8000  }
.LBB2_2:
0x1d: {  	s19 =	sshll.u32 s18, $0x4  }
0x1e: {  	s20 =	sand.u32 $0x70, s19  }
0x1f: {  	s21 =	sshll.u32 s18, $0x7;
	v6 =	vmov s20  }
0x20: {  	s31 =	simm.s32 $0x0;
	s30 =	sand.u32 $0x1C00, s21  }
0x21: {  	s22 =	sand.u32 $0x6000, s31;
	s20 =	sadd.s32 $0x2580, s30  }
0x22: {  	s21 =	sand.u32 $0x380, s31;
	s22 =	sadd.s32 s22, s20  }
0x23: {  	s22 =	sadd.s32 s21, s22  }
0x24: {  	v8 =	vld.idx.msk [tilespmem:v6+s22+$0x0 ss:$0x1], $0xffff  }
0x25: {  	v7 =	vimm.f32 $-3.000000010e+38;
	s21 =	simm.s32 $0x400;
	s22 =	simm.s32 $0x80  }
.LBB2_3:
0x26: {  	s23 =	sand.u32 $0x6000, s21;
	p0 =	sne.s32 s21, $0x7C00;
	s21 =	sadd.s32 $0x400, s21  }
.Ltmp0:
0x27: {  	s24 =	sand.u32 $0x380, s22;
	s23 =	sadd.s32 s23, s20;
	(pc) =	sbr.rel @p0 .LBB2_3-.Ltmp0, $3  }
0x28: {  	s23 =	sadd.s32 s24, s23  }
0x29: {  	v7 =	vmax.f32 v7, v8;
	v8 =	vld.idx.msk [tilespmem:v6+s23+$0x0 ss:$0x1], $0xffff;
	_ =	sdelay $0x1  }
0x2a: {  	s22 =	sadd.s32 $0x80, s22  }
0x2b: {  	s18 =	sadd.s32 $0x1, s18  }
0x2c: {  	p0 =	sne.s32 s18, $0x40  }
.Ltmp1:
0x2d: {  	_ = 	snop;
	(pc) =	sbr.rel @p0 .LBB2_2-.Ltmp1, $3  }
0x2e: {  	_ =	sdelay $0x1  }
0x2f: {  	s19 =	sand.u32 $0x3FFFFFF0, s19;
	v6 =	vmax.f32 v7, v8  }
0x30: {  	[tilespmem:s19+$0xA580] =	vst v6  }
0x31: {  	s18 =	simm.s32 $0x40;
	s19 =	simm.s32 $0x0  }
.LBB2_6:
0x32: {  	p0 =	sne.s32 s18, $0xFC0;
	[tilespmem:s19+$0xA980] =	vst v4;
	s19 =	smov.u32 s18;
	s18 =	sadd.s32 $0x40, s18  }
.Ltmp2:
0x33: {  	(pc) =	sbr.rel @p0 .LBB2_6-.Ltmp2, $2  }
0x34: {  	_ =	sdelay $0x2  }
0x35: {  	s19 =	sshra.s32 s19, $0x2  }
0x36: {  	[tilespmem:s19+$0xA980] =	vst v4;
	s19 =	simm.s32 $0x0;
	s18 =	simm.s32 $0x40  }
.LBB2_8:
0x37: {  	p0 =	sne.s32 s18, $0x31C0;
	v6 =	vld [tilespmem:s19+$0xC80];
	_ =	sdelay $0x7  }
0x38: {  	v7 =	vld.idx.msk [tilespmem:v6+s12+$0x0], $0xffff  }
0x39: {  	v8 =	vld [tilespmem:s19+$0x0];
	_ =	sdelay $0x4  }
0x3a: {  	v7 =	vsub.f32 v8, v7;
	_ =	sdelay $0x1  }
0x3b: {  	v7 =	vmul.f32 $1.442695020e+00, v7;
	_ =	sdelay $0x1  }
0x3c: {  	(erf) = vpow2.f32 v7;
	_ =	sdelay $0x8  }
0x3d: {  	v7 =	vpop (erf)  }
0x3e: {  	v9 =	vperm.xlane v6, v0;
	[tilespmem:s19+$0x1900] =	vst v7;
	v8 =	vperm.xlane v7, v0  }
0x3f: {  	v10 =	vld.idx.msk [tilespmem:v6+s13+$0x0], $0xffff  }
0x40: {  	vm5 =	veq.s32 v6, v9;
	v8 =	vadd.f32 v7, v8  }
0x41: {  	vm5 =	vmand vm5, vm0  }
0x42: {  	v7 =	vsel vm5, v8, v7  }
0x43: {  	v9 =	vperm.xlane v6, v1;
	v8 =	vperm.xlane v7, v1;
	_ =	sdelay $0x1  }
0x44: {  	vm5 =	veq.s32 v6, v9;
	v8 =	vadd.f32 v7, v8  }
0x45: {  	vm5 =	vmand vm5, vm1  }
0x46: {  	v7 =	vsel vm5, v8, v7  }
0x47: {  	v9 =	vperm.xlane v6, v2;
	v8 =	vperm.xlane v7, v2;
	_ =	sdelay $0x1  }
0x48: {  	vm5 =	veq.s32 v6, v9;
	v8 =	vadd.f32 v7, v8  }
0x49: {  	v9 =	vperm.xlane v6, v5;
	vm5 =	vmand vm5, vm2  }
0x4a: {  	v7 =	vsel vm5, v8, v7  }
0x4b: {  	v11 =	vperm.xlane v6, v3;
	vm5 =	vne.s32 v6, v9;
	v8 =	vperm.xlane v7, v3  }
0x4c: {  	vm5 =	vmor vm5, vm4  }
0x4d: {  	vm6 =	veq.s32 v6, v11;
	v8 =	vadd.f32 v7, v8  }
.Ltmp3:
0x4e: {  	vm6 =	vmand vm6, vm3;
	(pc) =	sbr.rel @p0 .LBB2_8-.Ltmp3, $3  }
0x4f: {  	v7 =	vsel vm6, v8, v7  }
0x50: {  	v7 =	vadd.f32 v7, v10;
	_ =	sdelay $0x1  }
0x51: {  	s19 =	sshra.s32 s18, $0x2;
	s18 =	sadd.s32 $0x40, s18;
	[tilespmem:v6+s13+$0x0] =	vst.idx.msk vm5, v7  }
0x52: {  	v6 =	vld [tilespmem:s19+$0xC80];
	_ =	sdelay $0x6  }
0x53: {  	v8 =	vld [tilespmem:s19+$0x0]  }
0x54: {  	v7 =	vld.idx.msk [tilespmem:v6+s12+$0x0], $0xffff;
	_ =	sdelay $0x4  }
0x55: {  	v7 =	vsub.f32 v8, v7;
	_ =	sdelay $0x1  }
0x56: {  	v7 =	vmul.f32 $1.442695020e+00, v7;
	_ =	sdelay $0x1  }
0x57: {  	(erf) = vpow2.f32 v7;
	_ =	sdelay $0x8  }
0x58: {  	v7 =	vpop (erf)  }
0x59: {  	v9 =	vperm.xlane v6, v0;
	v59 =	vperm.xlane v7, v0;
	_ =	sdelay $0x1  }
0x5a: {  	vm5 =	veq.s32 v6, v9;
	v8 =	vadd.f32 v7, v59  }
0x5b: {  	vm5 =	vmand vm5, vm0  }
0x5c: {  	v8 =	vsel vm5, v8, v7  }
0x5d: {  	v10 =	vperm.xlane v6, v1;
	v60 =	vperm.xlane v8, v1;
	_ =	sdelay $0x1  }
0x5e: {  	vm5 =	veq.s32 v6, v10;
	v9 =	vadd.f32 v8, v60  }
0x5f: {  	vm5 =	vmand vm5, vm1  }
0x60: {  	v8 =	vsel vm5, v9, v8  }
0x61: {  	v61 =	vperm.xlane v6, v2;
	v9 =	vperm.xlane v8, v2;
	_ =	sdelay $0x1  }
0x62: {  	vm5 =	veq.s32 v6, v61;
	v9 =	vadd.f32 v8, v9  }
0x63: {  	v62 =	vperm.xlane v6, v5;
	vm5 =	vmand vm5, vm2  }
0x64: {  	[tilespmem:s19+$0x1900] =	vst v7;
	v7 =	vsel vm5, v9, v8  }
0x65: {  	v11 =	vperm.xlane v6, v3;
	v63 =	vld.idx.msk [tilespmem:v6+s13+$0x0], $0xffff;
	vm5 =	vne.s32 v6, v62;
	v9 =	vperm.xlane v7, v3  }
0x66: {  	vm5 =	vmor vm5, vm4  }
0x67: {  	vm6 =	veq.s32 v6, v11;
	v9 =	vadd.f32 v7, v9  }
0x68: {  	vm6 =	vmand vm6, vm3  }
0x69: {  	v7 =	vsel vm6, v9, v7  }
0x6a: {  	v7 =	vadd.f32 v7, v63;
	_ =	sdelay $0x1  }
0x6b: {  	[tilespmem:v6+s13+$0x0] =	vst.idx.msk vm5, v7  }
0x6c: {  	[hbm4b:s6+s2] =	stream.linear.scatter [tilespmem:s14], [sflag:$0x1], $0xC80, $0x38;
	[tilespmem:$0xAD80] =	vst v63  }
0x6d: {  	s17 =	sadd.s32 $0x1, s17;
	_ =	swait.ge [sflag:s9], $0xC80  }
0x6e: {  	p0 =	sne.s32 s17, s8;
	[sflag:s9] =	ssyncset.done $0x0  }
.Ltmp4:
0x6f: {  	[sflag:s9] =	ssyncadd.s32 $0xFFFFF380;
	(pc) =	sbr.rel @p0 .LBB2_1-.Ltmp4, $4  }
0x70: {  	[hbm4b:s7+s15] =	stream.strided.scatter [tilespmem:s13], [sflag:$0x1], $0x400, s16, s15, $0x38;
	[tilespmem:$0xAD80] =	vst v63  }
0x71: {  	_ =	swait.ge [sflag:s9], $0x400  }
0x72: {  	[sflag:s9] =	ssyncset.done $0x0  }
0x73: {  	[sflag:s9] =	ssyncadd.s32 $0xFFFFFC00  }
0x74: {  	_ =	sfence.sel $0x180000  }
0x75: {  	[bflag:$0x0] =	sbarrier.arrive $0xFFFF  }
0x76: {  	p0 =	sne.s32 s0, $0x0;
	_ =	strace $0x9000004A  }
0x77: {  	s0 =	sadd.s32 @!p0 $0x100000, s1;
	[bflag:$0x2] =	sbarrier.arrive $0xFFFF  }
0x78: {  	[sflag:s0] =	ssyncadd.tile.s32 @!p0 $0x1;
	_ =	shalt  }
.Lfunc_end2:
_tile_overlayer_lowered:
.L_overlay_start_2:
0x79: {  	(tag) =	ssettag $0x2  }
0x7a: {  	s0 =	rddreg [dreg:$0x0];
	s2 =	stileid.u32  }
0x7b: {  	s1 =	rddreg [dreg:$0x1];
	p0 =	sne.s32 s2, $0x0  }
0x7c: {  	s3 =	rddreg [dreg:$0x2];
	[bflag:$0x3] =	sbarrier.arrive $0xFFFF;
	s2 =	simm.s32 @!p0 $0x1C01  }
0x7d: {  	[timem:s3], [sflag:s2] =	dma.local @!p0 [hbm:s0], s1  }
0x7e: {  	s0 =	simm.s32 @!p0 $0x1  }
0x7f: {  	_ =	swait.ge @!p0 [sflag:s0], s1  }
0x80: {  	s1 =	ssub.s32 @!p0 $0x0, s1;
	[sflag:s0] =	ssyncset.done @!p0 $0x0  }
0x81: {  	[sflag:s0] =	ssyncadd.s32 @!p0 s1  }
0x82: {  	[bflag:$0x3] =	sbarrier.arrive $0xFFFF  }
0x83: {  	_ =	shalt  }

</sc_bundles>
